<compile_context>
chip_gen: v7x
topology: tpu7x:2x2x1
jax: 0.10.2.dev20260603
libtpu: 0.0.44.dev20260713+nightly
codegen_flags: <defaults>
</compile_context>

<pallas_src>
import functools
import jax
import jax.numpy as jnp
from jax import lax
from jax.experimental import pallas as pl
from jax.experimental.pallas import tpu as pltpu
from jax.experimental.pallas import tpu_sc as plsc

B = 16384
F = 64
NW = 32
ROWS = B // NW
CH = 64
NCH = ROWS // CH

_mesh = plsc.VectorSubcoreMesh(core_axis_name="c", subcore_axis_name="s")


@functools.partial(
    pl.kernel,
    mesh=_mesh,
    out_type=jax.ShapeDtypeStruct((16,), jnp.float32),
    scratch_types=[
        pltpu.VMEM((2, CH, F), jnp.float32),
        pltpu.VMEM((2, CH, F), jnp.float32),
        pltpu.VMEM((16,), jnp.float32),
        pltpu.SemaphoreType.DMA((2,)),
        pltpu.SemaphoreType.DMA((2,)),
    ],
)
def _sc_probe(x_hbm, t_hbm, out_hbm, xb, tb, ov, sx, st):
    c = lax.axis_index("c")
    s = lax.axis_index("s")
    wid = s * 2 + c
    base = wid * ROWS

    def start(i):
        slot = i % 2
        return (
            pltpu.async_copy(
                x_hbm.at[pl.ds(base + i * CH, CH), :], xb.at[slot], sx.at[slot]
            ),
            pltpu.async_copy(
                t_hbm.at[pl.ds(base + i * CH, CH), :], tb.at[slot], st.at[slot]
            ),
        )

    pend = {0: start(0)}
    for i in range(NCH):
        if i + 1 < NCH:
            pend[i + 1] = start(i + 1)
        a, b = pend.pop(i)
        a.wait()
        b.wait()

    @pl.when(wid == 0)
    def _():
        ov[...] = xb[0, 0, pl.ds(0, 16)] + tb[0, 0, pl.ds(0, 16)]
        pltpu.sync_copy(ov, out_hbm)


def kernel(input, target):
    res = _sc_probe(input, target)
    return res[0]

# --- scband reference (transcript-rebuilt; emitter-appended) ---
"""Pipeline reference for scband-top-kms-36352603193537 (READ-ONLY COPY).

The authoritative reference and input builder live on the scoring server;
editing this copy changes nothing except your own understanding.
"""

import jax, jax.numpy as jnp
import numpy as np

K_FRAC = 0.3

def setup_inputs(seed: int = 0) -> dict:
    key = jax.random.key(seed)
    k1, k2 = jax.random.split(key)
    inp = jax.random.normal(k1, (16384, 64), dtype=jnp.float32)
    tgt = jax.random.normal(k2, (16384, 64), dtype=jnp.float32)
    return {"input": inp, "target": tgt}

def reference(input, target):
    # Per-example MSE loss (mean over feature dim), matching nn.MSELoss per row
    loss = jnp.mean((input - target) ** 2, axis=1)  # [B]
    n = loss.shape[0]
    if K_FRAC == 1.0 or n == 1:
        valid_loss = loss
    else:
        k = int(K_FRAC * n)
        _, idx = jax.lax.top_k(loss, k)
        valid_loss = loss[idx]
    return jnp.mean(valid_loss)

if __name__ == "__main__":
    import jax
    _d = setup_inputs()
    print(jax.jit(kernel)(*tuple(_d.values())))

</pallas_src>

<mosaic_0001>
#map = affine_map<(d0, d1) -> (0, 0)>
#map1 = affine_map<(d0, d1) -> (0)>
module attributes {stable_mosaic.version = 14 : i64} {
  func.func @_sc_probe(%arg0: i32, %arg1: i32, %arg2: memref<16384x64xf32, #tpu.memory_space<hbm>>, %arg3: memref<16384x64xf32, #tpu.memory_space<hbm>>, %arg4: memref<16xf32, #tpu.memory_space<hbm>>, %arg5: memref<2x64x64xf32, #tpu.memory_space<vmem>>, %arg6: memref<2x64x64xf32, #tpu.memory_space<vmem>>, %arg7: memref<16xf32, #tpu.memory_space<vmem>>, %arg8: memref<2x!tpu.dma_semaphore, #tpu.memory_space<semaphore_mem>>, %arg9: memref<2x!tpu.dma_semaphore, #tpu.memory_space<semaphore_mem>>) attributes {dimension_semantics = [#tpu.dimension_semantics<core_parallel>, #tpu.dimension_semantics<subcore_parallel>], iteration_bounds = array<i64: 2, 16>, scalar_prefetch = 0 : i64, scratch_operands = 5 : i64, tpu.core_type = #tpu.core_type<sc_vector_subcore>, window_params = [{transform_indices = #map}, {transform_indices = #map}, {transform_indices = #map1}]} {
    %mul3A = arith.constant 2 : i32
    %mul3A_0 = arith.muli %arg1, %mul3A : i32
    %add3A = arith.addi %mul3A_0, %arg0 : i32
    %mul3A_1 = arith.constant 512 : i32
    %mul3A_2 = arith.muli %add3A, %mul3A_1 : i32
    %add3A_3 = arith.constant 0 : i32
    %add3A_4 = arith.addi %mul3A_2, %add3A_3 : i32
    %dma_start3A = arith.constant 0 : i32
    %dma_start3A_5 = arith.constant 0 : i32
    %dma_start3A_6 = arith.constant 0 : i32
    %dma_start3A_7 = arith.constant 0 : i32
    %dma_start3A_8 = tpu.memref_slice %arg5[%dma_start3A, %dma_start3A_6, %dma_start3A_7] : memref<2x64x64xf32, #tpu.memory_space<vmem>> -> memref<1x64x64xf32, #tpu.memory_space<vmem>>
    %dma_start3A_9 = tpu.memref_squeeze %dma_start3A_8 : memref<1x64x64xf32, #tpu.memory_space<vmem>> -> memref<64x64xf32, #tpu.memory_space<vmem>>
    %dma_start3A_10 = arith.constant 0 : i32
    %dma_start3A_11 = tpu.memref_slice %arg2[%add3A_4, %dma_start3A_10] : memref<16384x64xf32, #tpu.memory_space<hbm>> -> memref<64x64xf32, #tpu.memory_space<hbm>>
    %dma_start3A_12 = tpu.memref_slice %arg8[%dma_start3A_5] : memref<2x!tpu.dma_semaphore, #tpu.memory_space<semaphore_mem>> -> memref<1x!tpu.dma_semaphore, #tpu.memory_space<semaphore_mem>>
    %dma_start3A_13 = tpu.memref_squeeze %dma_start3A_12 : memref<1x!tpu.dma_semaphore, #tpu.memory_space<semaphore_mem>> -> memref<!tpu.dma_semaphore, #tpu.memory_space<semaphore_mem>>
    %dma_start3A_14 = arith.constant 0 : i32
    %dma_start3A_15 = arith.constant 0 : i32
    %dma_start3A_16 = tpu.memref_slice %arg5[%dma_start3A, %dma_start3A_14, %dma_start3A_15] : memref<2x64x64xf32, #tpu.memory_space<vmem>> -> memref<1x64x64xf32, #tpu.memory_space<vmem>>
    %dma_start3A_17 = tpu.memref_squeeze %dma_start3A_16 : memref<1x64x64xf32, #tpu.memory_space<vmem>> -> memref<64x64xf32, #tpu.memory_space<vmem>>
    %dma_start3A_18 = arith.constant 0 : i32
    %dma_start3A_19 = tpu.memref_slice %arg2[%add3A_4, %dma_start3A_18] : memref<16384x64xf32, #tpu.memory_space<hbm>> -> memref<64x64xf32, #tpu.memory_space<hbm>>
    tpu.enqueue_dma source(%dma_start3A_19 : memref<64x64xf32, #tpu.memory_space<hbm>>) target(%dma_start3A_17 : memref<64x64xf32, #tpu.memory_space<vmem>>) target_semaphore(%dma_start3A_13 : memref<!tpu.dma_semaphore, #tpu.memory_space<semaphore_mem>>)
    %add3A_20 = arith.constant 0 : i32
    %add3A_21 = arith.addi %mul3A_2, %add3A_20 : i32
    %dma_start3A_22 = arith.constant 0 : i32
    %dma_start3A_23 = arith.constant 0 : i32
    %dma_start3A_24 = arith.constant 0 : i32
    %dma_start3A_25 = arith.constant 0 : i32
    %dma_start3A_26 = tpu.memref_slice %arg6[%dma_start3A_22, %dma_start3A_24, %dma_start3A_25] : memref<2x64x64xf32, #tpu.memory_space<vmem>> -> memref<1x64x64xf32, #tpu.memory_space<vmem>>
    %dma_start3A_27 = tpu.memref_squeeze %dma_start3A_26 : memref<1x64x64xf32, #tpu.memory_space<vmem>> -> memref<64x64xf32, #tpu.memory_space<vmem>>
    %dma_start3A_28 = arith.constant 0 : i32
    %dma_start3A_29 = tpu.memref_slice %arg3[%add3A_21, %dma_start3A_28] : memref<16384x64xf32, #tpu.memory_space<hbm>> -> memref<64x64xf32, #tpu.memory_space<hbm>>
    %dma_start3A_30 = tpu.memref_slice %arg9[%dma_start3A_23] : memref<2x!tpu.dma_semaphore, #tpu.memory_space<semaphore_mem>> -> memref<1x!tpu.dma_semaphore, #tpu.memory_space<semaphore_mem>>
    %dma_start3A_31 = tpu.memref_squeeze %dma_start3A_30 : memref<1x!tpu.dma_semaphore, #tpu.memory_space<semaphore_mem>> -> memref<!tpu.dma_semaphore, #tpu.memory_space<semaphore_mem>>
    %dma_start3A_32 = arith.constant 0 : i32
    %dma_start3A_33 = arith.constant 0 : i32
    %dma_start3A_34 = tpu.memref_slice %arg6[%dma_start3A_22, %dma_start3A_32, %dma_start3A_33] : memref<2x64x64xf32, #tpu.memory_space<vmem>> -> memref<1x64x64xf32, #tpu.memory_space<vmem>>
    %dma_start3A_35 = tpu.memref_squeeze %dma_start3A_34 : memref<1x64x64xf32, #tpu.memory_space<vmem>> -> memref<64x64xf32, #tpu.memory_space<vmem>>
    %dma_start3A_36 = arith.constant 0 : i32
    %dma_start3A_37 = tpu.memref_slice %arg3[%add3A_21, %dma_start3A_36] : memref<16384x64xf32, #tpu.memory_space<hbm>> -> memref<64x64xf32, #tpu.memory_space<hbm>>
    tpu.enqueue_dma source(%dma_start3A_37 : memref<64x64xf32, #tpu.memory_space<hbm>>) target(%dma_start3A_35 : memref<64x64xf32, #tpu.memory_space<vmem>>) target_semaphore(%dma_start3A_31 : memref<!tpu.dma_semaphore, #tpu.memory_space<semaphore_mem>>)
    %add3A_38 = arith.constant 64 : i32
    %add3A_39 = arith.addi %mul3A_2, %add3A_38 : i32
    %dma_start3A_40 = arith.constant 1 : i32
    %dma_start3A_41 = arith.constant 1 : i32
    %dma_start3A_42 = arith.constant 0 : i32
    %dma_start3A_43 = arith.constant 0 : i32
    %dma_start3A_44 = tpu.memref_slice %arg5[%dma_start3A_40, %dma_start3A_42, %dma_start3A_43] : memref<2x64x64xf32, #tpu.memory_space<vmem>> -> memref<1x64x64xf32, #tpu.memory_space<vmem>>
    %dma_start3A_45 = tpu.memref_squeeze %dma_start3A_44 : memref<1x64x64xf32, #tpu.memory_space<vmem>> -> memref<64x64xf32, #tpu.memory_space<vmem>>
    %dma_start3A_46 = arith.constant 0 : i32
    %dma_start3A_47 = tpu.memref_slice %arg2[%add3A_39, %dma_start3A_46] : memref<16384x64xf32, #tpu.memory_space<hbm>> -> memref<64x64xf32, #tpu.memory_space<hbm>>
    %dma_start3A_48 = tpu.memref_slice %arg8[%dma_start3A_41] : memref<2x!tpu.dma_semaphore, #tpu.memory_space<semaphore_mem>> -> memref<1x!tpu.dma_semaphore, #tpu.memory_space<semaphore_mem>>
    %dma_start3A_49 = tpu.memref_squeeze %dma_start3A_48 : memref<1x!tpu.dma_semaphore, #tpu.memory_space<semaphore_mem>> -> memref<!tpu.dma_semaphore, #tpu.memory_space<semaphore_mem>>
    %dma_start3A_50 = arith.constant 0 : i32
    %dma_start3A_51 = arith.constant 0 : i32
    %dma_start3A_52 = tpu.memref_slice %arg5[%dma_start3A_40, %dma_start3A_50, %dma_start3A_51] : memref<2x64x64xf32, #tpu.memory_space<vmem>> -> memref<1x64x64xf32, #tpu.memory_space<vmem>>
    %dma_start3A_53 = tpu.memref_squeeze %dma_start3A_52 : memref<1x64x64xf32, #tpu.memory_space<vmem>> -> memref<64x64xf32, #tpu.memory_space<vmem>>
    %dma_start3A_54 = arith.constant 0 : i32
    %dma_start3A_55 = tpu.memref_slice %arg2[%add3A_39, %dma_start3A_54] : memref<16384x64xf32, #tpu.memory_space<hbm>> -> memref<64x64xf32, #tpu.memory_space<hbm>>
    tpu.enqueue_dma source(%dma_start3A_55 : memref<64x64xf32, #tpu.memory_space<hbm>>) target(%dma_start3A_53 : memref<64x64xf32, #tpu.memory_space<vmem>>) target_semaphore(%dma_start3A_49 : memref<!tpu.dma_semaphore, #tpu.memory_space<semaphore_mem>>)
    %add3A_56 = arith.constant 64 : i32
    %add3A_57 = arith.addi %mul3A_2, %add3A_56 : i32
    %dma_start3A_58 = arith.constant 1 : i32
    %dma_start3A_59 = arith.constant 1 : i32
    %dma_start3A_60 = arith.constant 0 : i32
    %dma_start3A_61 = arith.constant 0 : i32
    %dma_start3A_62 = tpu.memref_slice %arg6[%dma_start3A_58, %dma_start3A_60, %dma_start3A_61] : memref<2x64x64xf32, #tpu.memory_space<vmem>> -> memref<1x64x64xf32, #tpu.memory_space<vmem>>
    %dma_start3A_63 = tpu.memref_squeeze %dma_start3A_62 : memref<1x64x64xf32, #tpu.memory_space<vmem>> -> memref<64x64xf32, #tpu.memory_space<vmem>>
    %dma_start3A_64 = arith.constant 0 : i32
    %dma_start3A_65 = tpu.memref_slice %arg3[%add3A_57, %dma_start3A_64] : memref<16384x64xf32, #tpu.memory_space<hbm>> -> memref<64x64xf32, #tpu.memory_space<hbm>>
    %dma_start3A_66 = tpu.memref_slice %arg9[%dma_start3A_59] : memref<2x!tpu.dma_semaphore, #tpu.memory_space<semaphore_mem>> -> memref<1x!tpu.dma_semaphore, #tpu.memory_space<semaphore_mem>>
    %dma_start3A_67 = tpu.memref_squeeze %dma_start3A_66 : memref<1x!tpu.dma_semaphore, #tpu.memory_space<semaphore_mem>> -> memref<!tpu.dma_semaphore, #tpu.memory_space<semaphore_mem>>
    %dma_start3A_68 = arith.constant 0 : i32
    %dma_start3A_69 = arith.constant 0 : i32
    %dma_start3A_70 = tpu.memref_slice %arg6[%dma_start3A_58, %dma_start3A_68, %dma_start3A_69] : memref<2x64x64xf32, #tpu.memory_space<vmem>> -> memref<1x64x64xf32, #tpu.memory_space<vmem>>
    %dma_start3A_71 = tpu.memref_squeeze %dma_start3A_70 : memref<1x64x64xf32, #tpu.memory_space<vmem>> -> memref<64x64xf32, #tpu.memory_space<vmem>>
    %dma_start3A_72 = arith.constant 0 : i32
    %dma_start3A_73 = tpu.memref_slice %arg3[%add3A_57, %dma_start3A_72] : memref<16384x64xf32, #tpu.memory_space<hbm>> -> memref<64x64xf32, #tpu.memory_space<hbm>>
    tpu.enqueue_dma source(%dma_start3A_73 : memref<64x64xf32, #tpu.memory_space<hbm>>) target(%dma_start3A_71 : memref<64x64xf32, #tpu.memory_space<vmem>>) target_semaphore(%dma_start3A_67 : memref<!tpu.dma_semaphore, #tpu.memory_space<semaphore_mem>>)
    %dma_wait3A = arith.constant 0 : i32
    %dma_wait3A_74 = arith.constant 0 : i32
    %dma_wait3A_75 = arith.constant 0 : i32
    %dma_wait3A_76 = arith.constant 0 : i32
    %dma_wait3A_77 = tpu.memref_slice %arg5[%dma_wait3A, %dma_wait3A_75, %dma_wait3A_76] : memref<2x64x64xf32, #tpu.memory_space<vmem>> -> memref<1x64x64xf32, #tpu.memory_space<vmem>>
    %dma_wait3A_78 = tpu.memref_squeeze %dma_wait3A_77 : memref<1x64x64xf32, #tpu.memory_space<vmem>> -> memref<64x64xf32, #tpu.memory_space<vmem>>
    %dma_wait3A_79 = arith.constant 0 : i32
    %dma_wait3A_80 = tpu.memref_slice %arg2[%add3A_4, %dma_wait3A_79] : memref<16384x64xf32, #tpu.memory_space<hbm>> -> memref<64x64xf32, #tpu.memory_space<hbm>>
    %dma_wait3A_81 = tpu.memref_slice %arg8[%dma_wait3A_74] : memref<2x!tpu.dma_semaphore, #tpu.memory_space<semaphore_mem>> -> memref<1x!tpu.dma_semaphore, #tpu.memory_space<semaphore_mem>>
    %dma_wait3A_82 = tpu.memref_squeeze %dma_wait3A_81 : memref<1x!tpu.dma_semaphore, #tpu.memory_space<semaphore_mem>> -> memref<!tpu.dma_semaphore, #tpu.memory_space<semaphore_mem>>
    %dma_wait3A_83 = arith.constant 0 : i32
    %dma_wait3A_84 = arith.constant 0 : i32
    %dma_wait3A_85 = tpu.memref_slice %arg5[%dma_wait3A, %dma_wait3A_83, %dma_wait3A_84] : memref<2x64x64xf32, #tpu.memory_space<vmem>> -> memref<1x64x64xf32, #tpu.memory_space<vmem>>
    %dma_wait3A_86 = tpu.memref_squeeze %dma_wait3A_85 : memref<1x64x64xf32, #tpu.memory_space<vmem>> -> memref<64x64xf32, #tpu.memory_space<vmem>>
    %dma_wait3A_87 = arith.constant 0 : i32
    %dma_wait3A_88 = tpu.memref_slice %arg2[%add3A_4, %dma_wait3A_87] : memref<16384x64xf32, #tpu.memory_space<hbm>> -> memref<64x64xf32, #tpu.memory_space<hbm>>
    tpu.wait_dma2 semaphore(%dma_wait3A_82 : memref<!tpu.dma_semaphore, #tpu.memory_space<semaphore_mem>>) src(%dma_wait3A_88 : memref<64x64xf32, #tpu.memory_space<hbm>>) dst(%dma_wait3A_86 : memref<64x64xf32, #tpu.memory_space<vmem>>)
    %dma_wait3A_89 = arith.constant 0 : i32
    %dma_wait3A_90 = arith.constant 0 : i32
    %dma_wait3A_91 = arith.constant 0 : i32
    %dma_wait3A_92 = arith.constant 0 : i32
    %dma_wait3A_93 = tpu.memref_slice %arg6[%dma_wait3A_89, %dma_wait3A_91, %dma_wait3A_92] : memref<2x64x64xf32, #tpu.memory_space<vmem>> -> memref<1x64x64xf32, #tpu.memory_space<vmem>>
    %dma_wait3A_94 = tpu.memref_squeeze %dma_wait3A_93 : memref<1x64x64xf32, #tpu.memory_space<vmem>> -> memref<64x64xf32, #tpu.memory_space<vmem>>
    %dma_wait3A_95 = arith.constant 0 : i32
    %dma_wait3A_96 = tpu.memref_slice %arg3[%add3A_21, %dma_wait3A_95] : memref<16384x64xf32, #tpu.memory_space<hbm>> -> memref<64x64xf32, #tpu.memory_space<hbm>>
    %dma_wait3A_97 = tpu.memref_slice %arg9[%dma_wait3A_90] : memref<2x!tpu.dma_semaphore, #tpu.memory_space<semaphore_mem>> -> memref<1x!tpu.dma_semaphore, #tpu.memory_space<semaphore_mem>>
    %dma_wait3A_98 = tpu.memref_squeeze %dma_wait3A_97 : memref<1x!tpu.dma_semaphore, #tpu.memory_space<semaphore_mem>> -> memref<!tpu.dma_semaphore, #tpu.memory_space<semaphore_mem>>
    %dma_wait3A_99 = arith.constant 0 : i32
    %dma_wait3A_100 = arith.constant 0 : i32
    %dma_wait3A_101 = tpu.memref_slice %arg6[%dma_wait3A_89, %dma_wait3A_99, %dma_wait3A_100] : memref<2x64x64xf32, #tpu.memory_space<vmem>> -> memref<1x64x64xf32, #tpu.memory_space<vmem>>
    %dma_wait3A_102 = tpu.memref_squeeze %dma_wait3A_101 : memref<1x64x64xf32, #tpu.memory_space<vmem>> -> memref<64x64xf32, #tpu.memory_space<vmem>>
    %dma_wait3A_103 = arith.constant 0 : i32
    %dma_wait3A_104 = tpu.memref_slice %arg3[%add3A_21, %dma_wait3A_103] : memref<16384x64xf32, #tpu.memory_space<hbm>> -> memref<64x64xf32, #tpu.memory_space<hbm>>
    tpu.wait_dma2 semaphore(%dma_wait3A_98 : memref<!tpu.dma_semaphore, #tpu.memory_space<semaphore_mem>>) src(%dma_wait3A_104 : memref<64x64xf32, #tpu.memory_space<hbm>>) dst(%dma_wait3A_102 : memref<64x64xf32, #tpu.memory_space<vmem>>)
    %add3A_105 = arith.constant 128 : i32
    %add3A_106 = arith.addi %mul3A_2, %add3A_105 : i32
    %dma_start3A_107 = arith.constant 0 : i32
    %dma_start3A_108 = arith.constant 0 : i32
    %dma_start3A_109 = arith.constant 0 : i32
    %dma_start3A_110 = arith.constant 0 : i32
    %dma_start3A_111 = tpu.memref_slice %arg5[%dma_start3A_107, %dma_start3A_109, %dma_start3A_110] : memref<2x64x64xf32, #tpu.memory_space<vmem>> -> memref<1x64x64xf32, #tpu.memory_space<vmem>>
    %dma_start3A_112 = tpu.memref_squeeze %dma_start3A_111 : memref<1x64x64xf32, #tpu.memory_space<vmem>> -> memref<64x64xf32, #tpu.memory_space<vmem>>
    %dma_start3A_113 = arith.constant 0 : i32
    %dma_start3A_114 = tpu.memref_slice %arg2[%add3A_106, %dma_start3A_113] : memref<16384x64xf32, #tpu.memory_space<hbm>> -> memref<64x64xf32, #tpu.memory_space<hbm>>
    %dma_start3A_115 = tpu.memref_slice %arg8[%dma_start3A_108] : memref<2x!tpu.dma_semaphore, #tpu.memory_space<semaphore_mem>> -> memref<1x!tpu.dma_semaphore, #tpu.memory_space<semaphore_mem>>
    %dma_start3A_116 = tpu.memref_squeeze %dma_start3A_115 : memref<1x!tpu.dma_semaphore, #tpu.memory_space<semaphore_mem>> -> memref<!tpu.dma_semaphore, #tpu.memory_space<semaphore_mem>>
    %dma_start3A_117 = arith.constant 0 : i32
    %dma_start3A_118 = arith.constant 0 : i32
    %dma_start3A_119 = tpu.memref_slice %arg5[%dma_start3A_107, %dma_start3A_117, %dma_start3A_118] : memref<2x64x64xf32, #tpu.memory_space<vmem>> -> memref<1x64x64xf32, #tpu.memory_space<vmem>>
    %dma_start3A_120 = tpu.memref_squeeze %dma_start3A_119 : memref<1x64x64xf32, #tpu.memory_space<vmem>> -> memref<64x64xf32, #tpu.memory_space<vmem>>
    %dma_start3A_121 = arith.constant 0 : i32
    %dma_start3A_122 = tpu.memref_slice %arg2[%add3A_106, %dma_start3A_121] : memref<16384x64xf32, #tpu.memory_space<hbm>> -> memref<64x64xf32, #tpu.memory_space<hbm>>
    tpu.enqueue_dma source(%dma_start3A_122 : memref<64x64xf32, #tpu.memory_space<hbm>>) target(%dma_start3A_120 : memref<64x64xf32, #tpu.memory_space<vmem>>) target_semaphore(%dma_start3A_116 : memref<!tpu.dma_semaphore, #tpu.memory_space<semaphore_mem>>)
    %add3A_123 = arith.constant 128 : i32
    %add3A_124 = arith.addi %mul3A_2, %add3A_123 : i32
    %dma_start3A_125 = arith.constant 0 : i32
    %dma_start3A_126 = arith.constant 0 : i32
    %dma_start3A_127 = arith.constant 0 : i32
    %dma_start3A_128 = arith.constant 0 : i32
    %dma_start3A_129 = tpu.memref_slice %arg6[%dma_start3A_125, %dma_start3A_127, %dma_start3A_128] : memref<2x64x64xf32, #tpu.memory_space<vmem>> -> memref<1x64x64xf32, #tpu.memory_space<vmem>>
    %dma_start3A_130 = tpu.memref_squeeze %dma_start3A_129 : memref<1x64x64xf32, #tpu.memory_space<vmem>> -> memref<64x64xf32, #tpu.memory_space<vmem>>
    %dma_start3A_131 = arith.constant 0 : i32
    %dma_start3A_132 = tpu.memref_slice %arg3[%add3A_124, %dma_start3A_131] : memref<16384x64xf32, #tpu.memory_space<hbm>> -> memref<64x64xf32, #tpu.memory_space<hbm>>
    %dma_start3A_133 = tpu.memref_slice %arg9[%dma_start3A_126] : memref<2x!tpu.dma_semaphore, #tpu.memory_space<semaphore_mem>> -> memref<1x!tpu.dma_semaphore, #tpu.memory_space<semaphore_mem>>
    %dma_start3A_134 = tpu.memref_squeeze %dma_start3A_133 : memref<1x!tpu.dma_semaphore, #tpu.memory_space<semaphore_mem>> -> memref<!tpu.dma_semaphore, #tpu.memory_space<semaphore_mem>>
    %dma_start3A_135 = arith.constant 0 : i32
    %dma_start3A_136 = arith.constant 0 : i32
    %dma_start3A_137 = tpu.memref_slice %arg6[%dma_start3A_125, %dma_start3A_135, %dma_start3A_136] : memref<2x64x64xf32, #tpu.memory_space<vmem>> -> memref<1x64x64xf32, #tpu.memory_space<vmem>>
    %dma_start3A_138 = tpu.memref_squeeze %dma_start3A_137 : memref<1x64x64xf32, #tpu.memory_space<vmem>> -> memref<64x64xf32, #tpu.memory_space<vmem>>
    %dma_start3A_139 = arith.constant 0 : i32
    %dma_start3A_140 = tpu.memref_slice %arg3[%add3A_124, %dma_start3A_139] : memref<16384x64xf32, #tpu.memory_space<hbm>> -> memref<64x64xf32, #tpu.memory_space<hbm>>
    tpu.enqueue_dma source(%dma_start3A_140 : memref<64x64xf32, #tpu.memory_space<hbm>>) target(%dma_start3A_138 : memref<64x64xf32, #tpu.memory_space<vmem>>) target_semaphore(%dma_start3A_134 : memref<!tpu.dma_semaphore, #tpu.memory_space<semaphore_mem>>)
    %dma_wait3A_141 = arith.constant 1 : i32
    %dma_wait3A_142 = arith.constant 1 : i32
    %dma_wait3A_143 = arith.constant 0 : i32
    %dma_wait3A_144 = arith.constant 0 : i32
    %dma_wait3A_145 = tpu.memref_slice %arg5[%dma_wait3A_141, %dma_wait3A_143, %dma_wait3A_144] : memref<2x64x64xf32, #tpu.memory_space<vmem>> -> memref<1x64x64xf32, #tpu.memory_space<vmem>>
    %dma_wait3A_146 = tpu.memref_squeeze %dma_wait3A_145 : memref<1x64x64xf32, #tpu.memory_space<vmem>> -> memref<64x64xf32, #tpu.memory_space<vmem>>
    %dma_wait3A_147 = arith.constant 0 : i32
    %dma_wait3A_148 = tpu.memref_slice %arg2[%add3A_39, %dma_wait3A_147] : memref<16384x64xf32, #tpu.memory_space<hbm>> -> memref<64x64xf32, #tpu.memory_space<hbm>>
    %dma_wait3A_149 = tpu.memref_slice %arg8[%dma_wait3A_142] : memref<2x!tpu.dma_semaphore, #tpu.memory_space<semaphore_mem>> -> memref<1x!tpu.dma_semaphore, #tpu.memory_space<semaphore_mem>>
    %dma_wait3A_150 = tpu.memref_squeeze %dma_wait3A_149 : memref<1x!tpu.dma_semaphore, #tpu.memory_space<semaphore_mem>> -> memref<!tpu.dma_semaphore, #tpu.memory_space<semaphore_mem>>
    %dma_wait3A_151 = arith.constant 0 : i32
    %dma_wait3A_152 = arith.constant 0 : i32
    %dma_wait3A_153 = tpu.memref_slice %arg5[%dma_wait3A_141, %dma_wait3A_151, %dma_wait3A_152] : memref<2x64x64xf32, #tpu.memory_space<vmem>> -> memref<1x64x64xf32, #tpu.memory_space<vmem>>
    %dma_wait3A_154 = tpu.memref_squeeze %dma_wait3A_153 : memref<1x64x64xf32, #tpu.memory_space<vmem>> -> memref<64x64xf32, #tpu.memory_space<vmem>>
    %dma_wait3A_155 = arith.constant 0 : i32
    %dma_wait3A_156 = tpu.memref_slice %arg2[%add3A_39, %dma_wait3A_155] : memref<16384x64xf32, #tpu.memory_space<hbm>> -> memref<64x64xf32, #tpu.memory_space<hbm>>
    tpu.wait_dma2 semaphore(%dma_wait3A_150 : memref<!tpu.dma_semaphore, #tpu.memory_space<semaphore_mem>>) src(%dma_wait3A_156 : memref<64x64xf32, #tpu.memory_space<hbm>>) dst(%dma_wait3A_154 : memref<64x64xf32, #tpu.memory_space<vmem>>)
    %dma_wait3A_157 = arith.constant 1 : i32
    %dma_wait3A_158 = arith.constant 1 : i32
    %dma_wait3A_159 = arith.constant 0 : i32
    %dma_wait3A_160 = arith.constant 0 : i32
    %dma_wait3A_161 = tpu.memref_slice %arg6[%dma_wait3A_157, %dma_wait3A_159, %dma_wait3A_160] : memref<2x64x64xf32, #tpu.memory_space<vmem>> -> memref<1x64x64xf32, #tpu.memory_space<vmem>>
    %dma_wait3A_162 = tpu.memref_squeeze %dma_wait3A_161 : memref<1x64x64xf32, #tpu.memory_space<vmem>> -> memref<64x64xf32, #tpu.memory_space<vmem>>
    %dma_wait3A_163 = arith.constant 0 : i32
    %dma_wait3A_164 = tpu.memref_slice %arg3[%add3A_57, %dma_wait3A_163] : memref<16384x64xf32, #tpu.memory_space<hbm>> -> memref<64x64xf32, #tpu.memory_space<hbm>>
    %dma_wait3A_165 = tpu.memref_slice %arg9[%dma_wait3A_158] : memref<2x!tpu.dma_semaphore, #tpu.memory_space<semaphore_mem>> -> memref<1x!tpu.dma_semaphore, #tpu.memory_space<semaphore_mem>>
    %dma_wait3A_166 = tpu.memref_squeeze %dma_wait3A_165 : memref<1x!tpu.dma_semaphore, #tpu.memory_space<semaphore_mem>> -> memref<!tpu.dma_semaphore, #tpu.memory_space<semaphore_mem>>
    %dma_wait3A_167 = arith.constant 0 : i32
    %dma_wait3A_168 = arith.constant 0 : i32
    %dma_wait3A_169 = tpu.memref_slice %arg6[%dma_wait3A_157, %dma_wait3A_167, %dma_wait3A_168] : memref<2x64x64xf32, #tpu.memory_space<vmem>> -> memref<1x64x64xf32, #tpu.memory_space<vmem>>
    %dma_wait3A_170 = tpu.memref_squeeze %dma_wait3A_169 : memref<1x64x64xf32, #tpu.memory_space<vmem>> -> memref<64x64xf32, #tpu.memory_space<vmem>>
    %dma_wait3A_171 = arith.constant 0 : i32
    %dma_wait3A_172 = tpu.memref_slice %arg3[%add3A_57, %dma_wait3A_171] : memref<16384x64xf32, #tpu.memory_space<hbm>> -> memref<64x64xf32, #tpu.memory_space<hbm>>
    tpu.wait_dma2 semaphore(%dma_wait3A_166 : memref<!tpu.dma_semaphore, #tpu.memory_space<semaphore_mem>>) src(%dma_wait3A_172 : memref<64x64xf32, #tpu.memory_space<hbm>>) dst(%dma_wait3A_170 : memref<64x64xf32, #tpu.memory_space<vmem>>)
    %add3A_173 = arith.constant 192 : i32
    %add3A_174 = arith.addi %mul3A_2, %add3A_173 : i32
    %dma_start3A_175 = arith.constant 1 : i32
    %dma_start3A_176 = arith.constant 1 : i32
    %dma_start3A_177 = arith.constant 0 : i32
    %dma_start3A_178 = arith.constant 0 : i32
    %dma_start3A_179 = tpu.memref_slice %arg5[%dma_start3A_175, %dma_start3A_177, %dma_start3A_178] : memref<2x64x64xf32, #tpu.memory_space<vmem>> -> memref<1x64x64xf32, #tpu.memory_space<vmem>>
    %dma_start3A_180 = tpu.memref_squeeze %dma_start3A_179 : memref<1x64x64xf32, #tpu.memory_space<vmem>> -> memref<64x64xf32, #tpu.memory_space<vmem>>
    %dma_start3A_181 = arith.constant 0 : i32
    %dma_start3A_182 = tpu.memref_slice %arg2[%add3A_174, %dma_start3A_181] : memref<16384x64xf32, #tpu.memory_space<hbm>> -> memref<64x64xf32, #tpu.memory_space<hbm>>
    %dma_start3A_183 = tpu.memref_slice %arg8[%dma_start3A_176] : memref<2x!tpu.dma_semaphore, #tpu.memory_space<semaphore_mem>> -> memref<1x!tpu.dma_semaphore, #tpu.memory_space<semaphore_mem>>
    %dma_start3A_184 = tpu.memref_squeeze %dma_start3A_183 : memref<1x!tpu.dma_semaphore, #tpu.memory_space<semaphore_mem>> -> memref<!tpu.dma_semaphore, #tpu.memory_space<semaphore_mem>>
    %dma_start3A_185 = arith.constant 0 : i32
    %dma_start3A_186 = arith.constant 0 : i32
    %dma_start3A_187 = tpu.memref_slice %arg5[%dma_start3A_175, %dma_start3A_185, %dma_start3A_186] : memref<2x64x64xf32, #tpu.memory_space<vmem>> -> memref<1x64x64xf32, #tpu.memory_space<vmem>>
    %dma_start3A_188 = tpu.memref_squeeze %dma_start3A_187 : memref<1x64x64xf32, #tpu.memory_space<vmem>> -> memref<64x64xf32, #tpu.memory_space<vmem>>
    %dma_start3A_189 = arith.constant 0 : i32
    %dma_start3A_190 = tpu.memref_slice %arg2[%add3A_174, %dma_start3A_189] : memref<16384x64xf32, #tpu.memory_space<hbm>> -> memref<64x64xf32, #tpu.memory_space<hbm>>
    tpu.enqueue_dma source(%dma_start3A_190 : memref<64x64xf32, #tpu.memory_space<hbm>>) target(%dma_start3A_188 : memref<64x64xf32, #tpu.memory_space<vmem>>) target_semaphore(%dma_start3A_184 : memref<!tpu.dma_semaphore, #tpu.memory_space<semaphore_mem>>)
    %add3A_191 = arith.constant 192 : i32
    %add3A_192 = arith.addi %mul3A_2, %add3A_191 : i32
    %dma_start3A_193 = arith.constant 1 : i32
    %dma_start3A_194 = arith.constant 1 : i32
    %dma_start3A_195 = arith.constant 0 : i32
    %dma_start3A_196 = arith.constant 0 : i32
    %dma_start3A_197 = tpu.memref_slice %arg6[%dma_start3A_193, %dma_start3A_195, %dma_start3A_196] : memref<2x64x64xf32, #tpu.memory_space<vmem>> -> memref<1x64x64xf32, #tpu.memory_space<vmem>>
    %dma_start3A_198 = tpu.memref_squeeze %dma_start3A_197 : memref<1x64x64xf32, #tpu.memory_space<vmem>> -> memref<64x64xf32, #tpu.memory_space<vmem>>
    %dma_start3A_199 = arith.constant 0 : i32
    %dma_start3A_200 = tpu.memref_slice %arg3[%add3A_192, %dma_start3A_199] : memref<16384x64xf32, #tpu.memory_space<hbm>> -> memref<64x64xf32, #tpu.memory_space<hbm>>
    %dma_start3A_201 = tpu.memref_slice %arg9[%dma_start3A_194] : memref<2x!tpu.dma_semaphore, #tpu.memory_space<semaphore_mem>> -> memref<1x!tpu.dma_semaphore, #tpu.memory_space<semaphore_mem>>
    %dma_start3A_202 = tpu.memref_squeeze %dma_start3A_201 : memref<1x!tpu.dma_semaphore, #tpu.memory_space<semaphore_mem>> -> memref<!tpu.dma_semaphore, #tpu.memory_space<semaphore_mem>>
    %dma_start3A_203 = arith.constant 0 : i32
    %dma_start3A_204 = arith.constant 0 : i32
    %dma_start3A_205 = tpu.memref_slice %arg6[%dma_start3A_193, %dma_start3A_203, %dma_start3A_204] : memref<2x64x64xf32, #tpu.memory_space<vmem>> -> memref<1x64x64xf32, #tpu.memory_space<vmem>>
    %dma_start3A_206 = tpu.memref_squeeze %dma_start3A_205 : memref<1x64x64xf32, #tpu.memory_space<vmem>> -> memref<64x64xf32, #tpu.memory_space<vmem>>
    %dma_start3A_207 = arith.constant 0 : i32
    %dma_start3A_208 = tpu.memref_slice %arg3[%add3A_192, %dma_start3A_207] : memref<16384x64xf32, #tpu.memory_space<hbm>> -> memref<64x64xf32, #tpu.memory_space<hbm>>
    tpu.enqueue_dma source(%dma_start3A_208 : memref<64x64xf32, #tpu.memory_space<hbm>>) target(%dma_start3A_206 : memref<64x64xf32, #tpu.memory_space<vmem>>) target_semaphore(%dma_start3A_202 : memref<!tpu.dma_semaphore, #tpu.memory_space<semaphore_mem>>)
    %dma_wait3A_209 = arith.constant 0 : i32
    %dma_wait3A_210 = arith.constant 0 : i32
    %dma_wait3A_211 = arith.constant 0 : i32
    %dma_wait3A_212 = arith.constant 0 : i32
    %dma_wait3A_213 = tpu.memref_slice %arg5[%dma_wait3A_209, %dma_wait3A_211, %dma_wait3A_212] : memref<2x64x64xf32, #tpu.memory_space<vmem>> -> memref<1x64x64xf32, #tpu.memory_space<vmem>>
    %dma_wait3A_214 = tpu.memref_squeeze %dma_wait3A_213 : memref<1x64x64xf32, #tpu.memory_space<vmem>> -> memref<64x64xf32, #tpu.memory_space<vmem>>
    %dma_wait3A_215 = arith.constant 0 : i32
    %dma_wait3A_216 = tpu.memref_slice %arg2[%add3A_106, %dma_wait3A_215] : memref<16384x64xf32, #tpu.memory_space<hbm>> -> memref<64x64xf32, #tpu.memory_space<hbm>>
    %dma_wait3A_217 = tpu.memref_slice %arg8[%dma_wait3A_210] : memref<2x!tpu.dma_semaphore, #tpu.memory_space<semaphore_mem>> -> memref<1x!tpu.dma_semaphore, #tpu.memory_space<semaphore_mem>>
    %dma_wait3A_218 = tpu.memref_squeeze %dma_wait3A_217 : memref<1x!tpu.dma_semaphore, #tpu.memory_space<semaphore_mem>> -> memref<!tpu.dma_semaphore, #tpu.memory_space<semaphore_mem>>
    %dma_wait3A_219 = arith.constant 0 : i32
    %dma_wait3A_220 = arith.constant 0 : i32
    %dma_wait3A_221 = tpu.memref_slice %arg5[%dma_wait3A_209, %dma_wait3A_219, %dma_wait3A_220] : memref<2x64x64xf32, #tpu.memory_space<vmem>> -> memref<1x64x64xf32, #tpu.memory_space<vmem>>
    %dma_wait3A_222 = tpu.memref_squeeze %dma_wait3A_221 : memref<1x64x64xf32, #tpu.memory_space<vmem>> -> memref<64x64xf32, #tpu.memory_space<vmem>>
    %dma_wait3A_223 = arith.constant 0 : i32
    %dma_wait3A_224 = tpu.memref_slice %arg2[%add3A_106, %dma_wait3A_223] : memref<16384x64xf32, #tpu.memory_space<hbm>> -> memref<64x64xf32, #tpu.memory_space<hbm>>
    tpu.wait_dma2 semaphore(%dma_wait3A_218 : memref<!tpu.dma_semaphore, #tpu.memory_space<semaphore_mem>>) src(%dma_wait3A_224 : memref<64x64xf32, #tpu.memory_space<hbm>>) dst(%dma_wait3A_222 : memref<64x64xf32, #tpu.memory_space<vmem>>)
    %dma_wait3A_225 = arith.constant 0 : i32
    %dma_wait3A_226 = arith.constant 0 : i32
    %dma_wait3A_227 = arith.constant 0 : i32
    %dma_wait3A_228 = arith.constant 0 : i32
    %dma_wait3A_229 = tpu.memref_slice %arg6[%dma_wait3A_225, %dma_wait3A_227, %dma_wait3A_228] : memref<2x64x64xf32, #tpu.memory_space<vmem>> -> memref<1x64x64xf32, #tpu.memory_space<vmem>>
    %dma_wait3A_230 = tpu.memref_squeeze %dma_wait3A_229 : memref<1x64x64xf32, #tpu.memory_space<vmem>> -> memref<64x64xf32, #tpu.memory_space<vmem>>
    %dma_wait3A_231 = arith.constant 0 : i32
    %dma_wait3A_232 = tpu.memref_slice %arg3[%add3A_124, %dma_wait3A_231] : memref<16384x64xf32, #tpu.memory_space<hbm>> -> memref<64x64xf32, #tpu.memory_space<hbm>>
    %dma_wait3A_233 = tpu.memref_slice %arg9[%dma_wait3A_226] : memref<2x!tpu.dma_semaphore, #tpu.memory_space<semaphore_mem>> -> memref<1x!tpu.dma_semaphore, #tpu.memory_space<semaphore_mem>>
    %dma_wait3A_234 = tpu.memref_squeeze %dma_wait3A_233 : memref<1x!tpu.dma_semaphore, #tpu.memory_space<semaphore_mem>> -> memref<!tpu.dma_semaphore, #tpu.memory_space<semaphore_mem>>
    %dma_wait3A_235 = arith.constant 0 : i32
    %dma_wait3A_236 = arith.constant 0 : i32
    %dma_wait3A_237 = tpu.memref_slice %arg6[%dma_wait3A_225, %dma_wait3A_235, %dma_wait3A_236] : memref<2x64x64xf32, #tpu.memory_space<vmem>> -> memref<1x64x64xf32, #tpu.memory_space<vmem>>
    %dma_wait3A_238 = tpu.memref_squeeze %dma_wait3A_237 : memref<1x64x64xf32, #tpu.memory_space<vmem>> -> memref<64x64xf32, #tpu.memory_space<vmem>>
    %dma_wait3A_239 = arith.constant 0 : i32
    %dma_wait3A_240 = tpu.memref_slice %arg3[%add3A_124, %dma_wait3A_239] : memref<16384x64xf32, #tpu.memory_space<hbm>> -> memref<64x64xf32, #tpu.memory_space<hbm>>
    tpu.wait_dma2 semaphore(%dma_wait3A_234 : memref<!tpu.dma_semaphore, #tpu.memory_space<semaphore_mem>>) src(%dma_wait3A_240 : memref<64x64xf32, #tpu.memory_space<hbm>>) dst(%dma_wait3A_238 : memref<64x64xf32, #tpu.memory_space<vmem>>)
    %add3A_241 = arith.constant 256 : i32
    %add3A_242 = arith.addi %mul3A_2, %add3A_241 : i32
    %dma_start3A_243 = arith.constant 0 : i32
    %dma_start3A_244 = arith.constant 0 : i32
    %dma_start3A_245 = arith.constant 0 : i32
    %dma_start3A_246 = arith.constant 0 : i32
    %dma_start3A_247 = tpu.memref_slice %arg5[%dma_start3A_243, %dma_start3A_245, %dma_start3A_246] : memref<2x64x64xf32, #tpu.memory_space<vmem>> -> memref<1x64x64xf32, #tpu.memory_space<vmem>>
    %dma_start3A_248 = tpu.memref_squeeze %dma_start3A_247 : memref<1x64x64xf32, #tpu.memory_space<vmem>> -> memref<64x64xf32, #tpu.memory_space<vmem>>
    %dma_start3A_249 = arith.constant 0 : i32
    %dma_start3A_250 = tpu.memref_slice %arg2[%add3A_242, %dma_start3A_249] : memref<16384x64xf32, #tpu.memory_space<hbm>> -> memref<64x64xf32, #tpu.memory_space<hbm>>
    %dma_start3A_251 = tpu.memref_slice %arg8[%dma_start3A_244] : memref<2x!tpu.dma_semaphore, #tpu.memory_space<semaphore_mem>> -> memref<1x!tpu.dma_semaphore, #tpu.memory_space<semaphore_mem>>
    %dma_start3A_252 = tpu.memref_squeeze %dma_start3A_251 : memref<1x!tpu.dma_semaphore, #tpu.memory_space<semaphore_mem>> -> memref<!tpu.dma_semaphore, #tpu.memory_space<semaphore_mem>>
    %dma_start3A_253 = arith.constant 0 : i32
    %dma_start3A_254 = arith.constant 0 : i32
    %dma_start3A_255 = tpu.memref_slice %arg5[%dma_start3A_243, %dma_start3A_253, %dma_start3A_254] : memref<2x64x64xf32, #tpu.memory_space<vmem>> -> memref<1x64x64xf32, #tpu.memory_space<vmem>>
    %dma_start3A_256 = tpu.memref_squeeze %dma_start3A_255 : memref<1x64x64xf32, #tpu.memory_space<vmem>> -> memref<64x64xf32, #tpu.memory_space<vmem>>
    %dma_start3A_257 = arith.constant 0 : i32
    %dma_start3A_258 = tpu.memref_slice %arg2[%add3A_242, %dma_start3A_257] : memref<16384x64xf32, #tpu.memory_space<hbm>> -> memref<64x64xf32, #tpu.memory_space<hbm>>
    tpu.enqueue_dma source(%dma_start3A_258 : memref<64x64xf32, #tpu.memory_space<hbm>>) target(%dma_start3A_256 : memref<64x64xf32, #tpu.memory_space<vmem>>) target_semaphore(%dma_start3A_252 : memref<!tpu.dma_semaphore, #tpu.memory_space<semaphore_mem>>)
    %add3A_259 = arith.constant 256 : i32
    %add3A_260 = arith.addi %mul3A_2, %add3A_259 : i32
    %dma_start3A_261 = arith.constant 0 : i32
    %dma_start3A_262 = arith.constant 0 : i32
    %dma_start3A_263 = arith.constant 0 : i32
    %dma_start3A_264 = arith.constant 0 : i32
    %dma_start3A_265 = tpu.memref_slice %arg6[%dma_start3A_261, %dma_start3A_263, %dma_start3A_264] : memref<2x64x64xf32, #tpu.memory_space<vmem>> -> memref<1x64x64xf32, #tpu.memory_space<vmem>>
    %dma_start3A_266 = tpu.memref_squeeze %dma_start3A_265 : memref<1x64x64xf32, #tpu.memory_space<vmem>> -> memref<64x64xf32, #tpu.memory_space<vmem>>
    %dma_start3A_267 = arith.constant 0 : i32
    %dma_start3A_268 = tpu.memref_slice %arg3[%add3A_260, %dma_start3A_267] : memref<16384x64xf32, #tpu.memory_space<hbm>> -> memref<64x64xf32, #tpu.memory_space<hbm>>
    %dma_start3A_269 = tpu.memref_slice %arg9[%dma_start3A_262] : memref<2x!tpu.dma_semaphore, #tpu.memory_space<semaphore_mem>> -> memref<1x!tpu.dma_semaphore, #tpu.memory_space<semaphore_mem>>
    %dma_start3A_270 = tpu.memref_squeeze %dma_start3A_269 : memref<1x!tpu.dma_semaphore, #tpu.memory_space<semaphore_mem>> -> memref<!tpu.dma_semaphore, #tpu.memory_space<semaphore_mem>>
    %dma_start3A_271 = arith.constant 0 : i32
    %dma_start3A_272 = arith.constant 0 : i32
    %dma_start3A_273 = tpu.memref_slice %arg6[%dma_start3A_261, %dma_start3A_271, %dma_start3A_272] : memref<2x64x64xf32, #tpu.memory_space<vmem>> -> memref<1x64x64xf32, #tpu.memory_space<vmem>>
    %dma_start3A_274 = tpu.memref_squeeze %dma_start3A_273 : memref<1x64x64xf32, #tpu.memory_space<vmem>> -> memref<64x64xf32, #tpu.memory_space<vmem>>
    %dma_start3A_275 = arith.constant 0 : i32
    %dma_start3A_276 = tpu.memref_slice %arg3[%add3A_260, %dma_start3A_275] : memref<16384x64xf32, #tpu.memory_space<hbm>> -> memref<64x64xf32, #tpu.memory_space<hbm>>
    tpu.enqueue_dma source(%dma_start3A_276 : memref<64x64xf32, #tpu.memory_space<hbm>>) target(%dma_start3A_274 : memref<64x64xf32, #tpu.memory_space<vmem>>) target_semaphore(%dma_start3A_270 : memref<!tpu.dma_semaphore, #tpu.memory_space<semaphore_mem>>)
    %dma_wait3A_277 = arith.constant 1 : i32
    %dma_wait3A_278 = arith.constant 1 : i32
    %dma_wait3A_279 = arith.constant 0 : i32
    %dma_wait3A_280 = arith.constant 0 : i32
    %dma_wait3A_281 = tpu.memref_slice %arg5[%dma_wait3A_277, %dma_wait3A_279, %dma_wait3A_280] : memref<2x64x64xf32, #tpu.memory_space<vmem>> -> memref<1x64x64xf32, #tpu.memory_space<vmem>>
    %dma_wait3A_282 = tpu.memref_squeeze %dma_wait3A_281 : memref<1x64x64xf32, #tpu.memory_space<vmem>> -> memref<64x64xf32, #tpu.memory_space<vmem>>
    %dma_wait3A_283 = arith.constant 0 : i32
    %dma_wait3A_284 = tpu.memref_slice %arg2[%add3A_174, %dma_wait3A_283] : memref<16384x64xf32, #tpu.memory_space<hbm>> -> memref<64x64xf32, #tpu.memory_space<hbm>>
    %dma_wait3A_285 = tpu.memref_slice %arg8[%dma_wait3A_278] : memref<2x!tpu.dma_semaphore, #tpu.memory_space<semaphore_mem>> -> memref<1x!tpu.dma_semaphore, #tpu.memory_space<semaphore_mem>>
    %dma_wait3A_286 = tpu.memref_squeeze %dma_wait3A_285 : memref<1x!tpu.dma_semaphore, #tpu.memory_space<semaphore_mem>> -> memref<!tpu.dma_semaphore, #tpu.memory_space<semaphore_mem>>
    %dma_wait3A_287 = arith.constant 0 : i32
    %dma_wait3A_288 = arith.constant 0 : i32
    %dma_wait3A_289 = tpu.memref_slice %arg5[%dma_wait3A_277, %dma_wait3A_287, %dma_wait3A_288] : memref<2x64x64xf32, #tpu.memory_space<vmem>> -> memref<1x64x64xf32, #tpu.memory_space<vmem>>
    %dma_wait3A_290 = tpu.memref_squeeze %dma_wait3A_289 : memref<1x64x64xf32, #tpu.memory_space<vmem>> -> memref<64x64xf32, #tpu.memory_space<vmem>>
    %dma_wait3A_291 = arith.constant 0 : i32
    %dma_wait3A_292 = tpu.memref_slice %arg2[%add3A_174, %dma_wait3A_291] : memref<16384x64xf32, #tpu.memory_space<hbm>> -> memref<64x64xf32, #tpu.memory_space<hbm>>
    tpu.wait_dma2 semaphore(%dma_wait3A_286 : memref<!tpu.dma_semaphore, #tpu.memory_space<semaphore_mem>>) src(%dma_wait3A_292 : memref<64x64xf32, #tpu.memory_space<hbm>>) dst(%dma_wait3A_290 : memref<64x64xf32, #tpu.memory_space<vmem>>)
    %dma_wait3A_293 = arith.constant 1 : i32
    %dma_wait3A_294 = arith.constant 1 : i32
    %dma_wait3A_295 = arith.constant 0 : i32
    %dma_wait3A_296 = arith.constant 0 : i32
    %dma_wait3A_297 = tpu.memref_slice %arg6[%dma_wait3A_293, %dma_wait3A_295, %dma_wait3A_296] : memref<2x64x64xf32, #tpu.memory_space<vmem>> -> memref<1x64x64xf32, #tpu.memory_space<vmem>>
    %dma_wait3A_298 = tpu.memref_squeeze %dma_wait3A_297 : memref<1x64x64xf32, #tpu.memory_space<vmem>> -> memref<64x64xf32, #tpu.memory_space<vmem>>
    %dma_wait3A_299 = arith.constant 0 : i32
    %dma_wait3A_300 = tpu.memref_slice %arg3[%add3A_192, %dma_wait3A_299] : memref<16384x64xf32, #tpu.memory_space<hbm>> -> memref<64x64xf32, #tpu.memory_space<hbm>>
    %dma_wait3A_301 = tpu.memref_slice %arg9[%dma_wait3A_294] : memref<2x!tpu.dma_semaphore, #tpu.memory_space<semaphore_mem>> -> memref<1x!tpu.dma_semaphore, #tpu.memory_space<semaphore_mem>>
    %dma_wait3A_302 = tpu.memref_squeeze %dma_wait3A_301 : memref<1x!tpu.dma_semaphore, #tpu.memory_space<semaphore_mem>> -> memref<!tpu.dma_semaphore, #tpu.memory_space<semaphore_mem>>
    %dma_wait3A_303 = arith.constant 0 : i32
    %dma_wait3A_304 = arith.constant 0 : i32
    %dma_wait3A_305 = tpu.memref_slice %arg6[%dma_wait3A_293, %dma_wait3A_303, %dma_wait3A_304] : memref<2x64x64xf32, #tpu.memory_space<vmem>> -> memref<1x64x64xf32, #tpu.memory_space<vmem>>
    %dma_wait3A_306 = tpu.memref_squeeze %dma_wait3A_305 : memref<1x64x64xf32, #tpu.memory_space<vmem>> -> memref<64x64xf32, #tpu.memory_space<vmem>>
    %dma_wait3A_307 = arith.constant 0 : i32
    %dma_wait3A_308 = tpu.memref_slice %arg3[%add3A_192, %dma_wait3A_307] : memref<16384x64xf32, #tpu.memory_space<hbm>> -> memref<64x64xf32, #tpu.memory_space<hbm>>
    tpu.wait_dma2 semaphore(%dma_wait3A_302 : memref<!tpu.dma_semaphore, #tpu.memory_space<semaphore_mem>>) src(%dma_wait3A_308 : memref<64x64xf32, #tpu.memory_space<hbm>>) dst(%dma_wait3A_306 : memref<64x64xf32, #tpu.memory_space<vmem>>)
    %add3A_309 = arith.constant 320 : i32
    %add3A_310 = arith.addi %mul3A_2, %add3A_309 : i32
    %dma_start3A_311 = arith.constant 1 : i32
    %dma_start3A_312 = arith.constant 1 : i32
    %dma_start3A_313 = arith.constant 0 : i32
    %dma_start3A_314 = arith.constant 0 : i32
    %dma_start3A_315 = tpu.memref_slice %arg5[%dma_start3A_311, %dma_start3A_313, %dma_start3A_314] : memref<2x64x64xf32, #tpu.memory_space<vmem>> -> memref<1x64x64xf32, #tpu.memory_space<vmem>>
    %dma_start3A_316 = tpu.memref_squeeze %dma_start3A_315 : memref<1x64x64xf32, #tpu.memory_space<vmem>> -> memref<64x64xf32, #tpu.memory_space<vmem>>
    %dma_start3A_317 = arith.constant 0 : i32
    %dma_start3A_318 = tpu.memref_slice %arg2[%add3A_310, %dma_start3A_317] : memref<16384x64xf32, #tpu.memory_space<hbm>> -> memref<64x64xf32, #tpu.memory_space<hbm>>
    %dma_start3A_319 = tpu.memref_slice %arg8[%dma_start3A_312] : memref<2x!tpu.dma_semaphore, #tpu.memory_space<semaphore_mem>> -> memref<1x!tpu.dma_semaphore, #tpu.memory_space<semaphore_mem>>
    %dma_start3A_320 = tpu.memref_squeeze %dma_start3A_319 : memref<1x!tpu.dma_semaphore, #tpu.memory_space<semaphore_mem>> -> memref<!tpu.dma_semaphore, #tpu.memory_space<semaphore_mem>>
    %dma_start3A_321 = arith.constant 0 : i32
    %dma_start3A_322 = arith.constant 0 : i32
    %dma_start3A_323 = tpu.memref_slice %arg5[%dma_start3A_311, %dma_start3A_321, %dma_start3A_322] : memref<2x64x64xf32, #tpu.memory_space<vmem>> -> memref<1x64x64xf32, #tpu.memory_space<vmem>>
    %dma_start3A_324 = tpu.memref_squeeze %dma_start3A_323 : memref<1x64x64xf32, #tpu.memory_space<vmem>> -> memref<64x64xf32, #tpu.memory_space<vmem>>
    %dma_start3A_325 = arith.constant 0 : i32
    %dma_start3A_326 = tpu.memref_slice %arg2[%add3A_310, %dma_start3A_325] : memref<16384x64xf32, #tpu.memory_space<hbm>> -> memref<64x64xf32, #tpu.memory_space<hbm>>
    tpu.enqueue_dma source(%dma_start3A_326 : memref<64x64xf32, #tpu.memory_space<hbm>>) target(%dma_start3A_324 : memref<64x64xf32, #tpu.memory_space<vmem>>) target_semaphore(%dma_start3A_320 : memref<!tpu.dma_semaphore, #tpu.memory_space<semaphore_mem>>)
    %add3A_327 = arith.constant 320 : i32
    %add3A_328 = arith.addi %mul3A_2, %add3A_327 : i32
    %dma_start3A_329 = arith.constant 1 : i32
    %dma_start3A_330 = arith.constant 1 : i32
    %dma_start3A_331 = arith.constant 0 : i32
    %dma_start3A_332 = arith.constant 0 : i32
    %dma_start3A_333 = tpu.memref_slice %arg6[%dma_start3A_329, %dma_start3A_331, %dma_start3A_332] : memref<2x64x64xf32, #tpu.memory_space<vmem>> -> memref<1x64x64xf32, #tpu.memory_space<vmem>>
    %dma_start3A_334 = tpu.memref_squeeze %dma_start3A_333 : memref<1x64x64xf32, #tpu.memory_space<vmem>> -> memref<64x64xf32, #tpu.memory_space<vmem>>
    %dma_start3A_335 = arith.constant 0 : i32
    %dma_start3A_336 = tpu.memref_slice %arg3[%add3A_328, %dma_start3A_335] : memref<16384x64xf32, #tpu.memory_space<hbm>> -> memref<64x64xf32, #tpu.memory_space<hbm>>
    %dma_start3A_337 = tpu.memref_slice %arg9[%dma_start3A_330] : memref<2x!tpu.dma_semaphore, #tpu.memory_space<semaphore_mem>> -> memref<1x!tpu.dma_semaphore, #tpu.memory_space<semaphore_mem>>
    %dma_start3A_338 = tpu.memref_squeeze %dma_start3A_337 : memref<1x!tpu.dma_semaphore, #tpu.memory_space<semaphore_mem>> -> memref<!tpu.dma_semaphore, #tpu.memory_space<semaphore_mem>>
    %dma_start3A_339 = arith.constant 0 : i32
    %dma_start3A_340 = arith.constant 0 : i32
    %dma_start3A_341 = tpu.memref_slice %arg6[%dma_start3A_329, %dma_start3A_339, %dma_start3A_340] : memref<2x64x64xf32, #tpu.memory_space<vmem>> -> memref<1x64x64xf32, #tpu.memory_space<vmem>>
    %dma_start3A_342 = tpu.memref_squeeze %dma_start3A_341 : memref<1x64x64xf32, #tpu.memory_space<vmem>> -> memref<64x64xf32, #tpu.memory_space<vmem>>
    %dma_start3A_343 = arith.constant 0 : i32
    %dma_start3A_344 = tpu.memref_slice %arg3[%add3A_328, %dma_start3A_343] : memref<16384x64xf32, #tpu.memory_space<hbm>> -> memref<64x64xf32, #tpu.memory_space<hbm>>
    tpu.enqueue_dma source(%dma_start3A_344 : memref<64x64xf32, #tpu.memory_space<hbm>>) target(%dma_start3A_342 : memref<64x64xf32, #tpu.memory_space<vmem>>) target_semaphore(%dma_start3A_338 : memref<!tpu.dma_semaphore, #tpu.memory_space<semaphore_mem>>)
    %dma_wait3A_345 = arith.constant 0 : i32
    %dma_wait3A_346 = arith.constant 0 : i32
    %dma_wait3A_347 = arith.constant 0 : i32
    %dma_wait3A_348 = arith.constant 0 : i32
    %dma_wait3A_349 = tpu.memref_slice %arg5[%dma_wait3A_345, %dma_wait3A_347, %dma_wait3A_348] : memref<2x64x64xf32, #tpu.memory_space<vmem>> -> memref<1x64x64xf32, #tpu.memory_space<vmem>>
    %dma_wait3A_350 = tpu.memref_squeeze %dma_wait3A_349 : memref<1x64x64xf32, #tpu.memory_space<vmem>> -> memref<64x64xf32, #tpu.memory_space<vmem>>
    %dma_wait3A_351 = arith.constant 0 : i32
    %dma_wait3A_352 = tpu.memref_slice %arg2[%add3A_242, %dma_wait3A_351] : memref<16384x64xf32, #tpu.memory_space<hbm>> -> memref<64x64xf32, #tpu.memory_space<hbm>>
    %dma_wait3A_353 = tpu.memref_slice %arg8[%dma_wait3A_346] : memref<2x!tpu.dma_semaphore, #tpu.memory_space<semaphore_mem>> -> memref<1x!tpu.dma_semaphore, #tpu.memory_space<semaphore_mem>>
    %dma_wait3A_354 = tpu.memref_squeeze %dma_wait3A_353 : memref<1x!tpu.dma_semaphore, #tpu.memory_space<semaphore_mem>> -> memref<!tpu.dma_semaphore, #tpu.memory_space<semaphore_mem>>
    %dma_wait3A_355 = arith.constant 0 : i32
    %dma_wait3A_356 = arith.constant 0 : i32
    %dma_wait3A_357 = tpu.memref_slice %arg5[%dma_wait3A_345, %dma_wait3A_355, %dma_wait3A_356] : memref<2x64x64xf32, #tpu.memory_space<vmem>> -> memref<1x64x64xf32, #tpu.memory_space<vmem>>
    %dma_wait3A_358 = tpu.memref_squeeze %dma_wait3A_357 : memref<1x64x64xf32, #tpu.memory_space<vmem>> -> memref<64x64xf32, #tpu.memory_space<vmem>>
    %dma_wait3A_359 = arith.constant 0 : i32
    %dma_wait3A_360 = tpu.memref_slice %arg2[%add3A_242, %dma_wait3A_359] : memref<16384x64xf32, #tpu.memory_space<hbm>> -> memref<64x64xf32, #tpu.memory_space<hbm>>
    tpu.wait_dma2 semaphore(%dma_wait3A_354 : memref<!tpu.dma_semaphore, #tpu.memory_space<semaphore_mem>>) src(%dma_wait3A_360 : memref<64x64xf32, #tpu.memory_space<hbm>>) dst(%dma_wait3A_358 : memref<64x64xf32, #tpu.memory_space<vmem>>)
    %dma_wait3A_361 = arith.constant 0 : i32
    %dma_wait3A_362 = arith.constant 0 : i32
    %dma_wait3A_363 = arith.constant 0 : i32
    %dma_wait3A_364 = arith.constant 0 : i32
    %dma_wait3A_365 = tpu.memref_slice %arg6[%dma_wait3A_361, %dma_wait3A_363, %dma_wait3A_364] : memref<2x64x64xf32, #tpu.memory_space<vmem>> -> memref<1x64x64xf32, #tpu.memory_space<vmem>>
    %dma_wait3A_366 = tpu.memref_squeeze %dma_wait3A_365 : memref<1x64x64xf32, #tpu.memory_space<vmem>> -> memref<64x64xf32, #tpu.memory_space<vmem>>
    %dma_wait3A_367 = arith.constant 0 : i32
    %dma_wait3A_368 = tpu.memref_slice %arg3[%add3A_260, %dma_wait3A_367] : memref<16384x64xf32, #tpu.memory_space<hbm>> -> memref<64x64xf32, #tpu.memory_space<hbm>>
    %dma_wait3A_369 = tpu.memref_slice %arg9[%dma_wait3A_362] : memref<2x!tpu.dma_semaphore, #tpu.memory_space<semaphore_mem>> -> memref<1x!tpu.dma_semaphore, #tpu.memory_space<semaphore_mem>>
    %dma_wait3A_370 = tpu.memref_squeeze %dma_wait3A_369 : memref<1x!tpu.dma_semaphore, #tpu.memory_space<semaphore_mem>> -> memref<!tpu.dma_semaphore, #tpu.memory_space<semaphore_mem>>
    %dma_wait3A_371 = arith.constant 0 : i32
    %dma_wait3A_372 = arith.constant 0 : i32
    %dma_wait3A_373 = tpu.memref_slice %arg6[%dma_wait3A_361, %dma_wait3A_371, %dma_wait3A_372] : memref<2x64x64xf32, #tpu.memory_space<vmem>> -> memref<1x64x64xf32, #tpu.memory_space<vmem>>
    %dma_wait3A_374 = tpu.memref_squeeze %dma_wait3A_373 : memref<1x64x64xf32, #tpu.memory_space<vmem>> -> memref<64x64xf32, #tpu.memory_space<vmem>>
    %dma_wait3A_375 = arith.constant 0 : i32
    %dma_wait3A_376 = tpu.memref_slice %arg3[%add3A_260, %dma_wait3A_375] : memref<16384x64xf32, #tpu.memory_space<hbm>> -> memref<64x64xf32, #tpu.memory_space<hbm>>
    tpu.wait_dma2 semaphore(%dma_wait3A_370 : memref<!tpu.dma_semaphore, #tpu.memory_space<semaphore_mem>>) src(%dma_wait3A_376 : memref<64x64xf32, #tpu.memory_space<hbm>>) dst(%dma_wait3A_374 : memref<64x64xf32, #tpu.memory_space<vmem>>)
    %add3A_377 = arith.constant 384 : i32
    %add3A_378 = arith.addi %mul3A_2, %add3A_377 : i32
    %dma_start3A_379 = arith.constant 0 : i32
    %dma_start3A_380 = arith.constant 0 : i32
    %dma_start3A_381 = arith.constant 0 : i32
    %dma_start3A_382 = arith.constant 0 : i32
    %dma_start3A_383 = tpu.memref_slice %arg5[%dma_start3A_379, %dma_start3A_381, %dma_start3A_382] : memref<2x64x64xf32, #tpu.memory_space<vmem>> -> memref<1x64x64xf32, #tpu.memory_space<vmem>>
    %dma_start3A_384 = tpu.memref_squeeze %dma_start3A_383 : memref<1x64x64xf32, #tpu.memory_space<vmem>> -> memref<64x64xf32, #tpu.memory_space<vmem>>
    %dma_start3A_385 = arith.constant 0 : i32
    %dma_start3A_386 = tpu.memref_slice %arg2[%add3A_378, %dma_start3A_385] : memref<16384x64xf32, #tpu.memory_space<hbm>> -> memref<64x64xf32, #tpu.memory_space<hbm>>
    %dma_start3A_387 = tpu.memref_slice %arg8[%dma_start3A_380] : memref<2x!tpu.dma_semaphore, #tpu.memory_space<semaphore_mem>> -> memref<1x!tpu.dma_semaphore, #tpu.memory_space<semaphore_mem>>
    %dma_start3A_388 = tpu.memref_squeeze %dma_start3A_387 : memref<1x!tpu.dma_semaphore, #tpu.memory_space<semaphore_mem>> -> memref<!tpu.dma_semaphore, #tpu.memory_space<semaphore_mem>>
    %dma_start3A_389 = arith.constant 0 : i32
    %dma_start3A_390 = arith.constant 0 : i32
    %dma_start3A_391 = tpu.memref_slice %arg5[%dma_start3A_379, %dma_start3A_389, %dma_start3A_390] : memref<2x64x64xf32, #tpu.memory_space<vmem>> -> memref<1x64x64xf32, #tpu.memory_space<vmem>>
    %dma_start3A_392 = tpu.memref_squeeze %dma_start3A_391 : memref<1x64x64xf32, #tpu.memory_space<vmem>> -> memref<64x64xf32, #tpu.memory_space<vmem>>
    %dma_start3A_393 = arith.constant 0 : i32
    %dma_start3A_394 = tpu.memref_slice %arg2[%add3A_378, %dma_start3A_393] : memref<16384x64xf32, #tpu.memory_space<hbm>> -> memref<64x64xf32, #tpu.memory_space<hbm>>
    tpu.enqueue_dma source(%dma_start3A_394 : memref<64x64xf32, #tpu.memory_space<hbm>>) target(%dma_start3A_392 : memref<64x64xf32, #tpu.memory_space<vmem>>) target_semaphore(%dma_start3A_388 : memref<!tpu.dma_semaphore, #tpu.memory_space<semaphore_mem>>)
    %add3A_395 = arith.constant 384 : i32
    %add3A_396 = arith.addi %mul3A_2, %add3A_395 : i32
    %dma_start3A_397 = arith.constant 0 : i32
    %dma_start3A_398 = arith.constant 0 : i32
    %dma_start3A_399 = arith.constant 0 : i32
    %dma_start3A_400 = arith.constant 0 : i32
    %dma_start3A_401 = tpu.memref_slice %arg6[%dma_start3A_397, %dma_start3A_399, %dma_start3A_400] : memref<2x64x64xf32, #tpu.memory_space<vmem>> -> memref<1x64x64xf32, #tpu.memory_space<vmem>>
    %dma_start3A_402 = tpu.memref_squeeze %dma_start3A_401 : memref<1x64x64xf32, #tpu.memory_space<vmem>> -> memref<64x64xf32, #tpu.memory_space<vmem>>
    %dma_start3A_403 = arith.constant 0 : i32
    %dma_start3A_404 = tpu.memref_slice %arg3[%add3A_396, %dma_start3A_403] : memref<16384x64xf32, #tpu.memory_space<hbm>> -> memref<64x64xf32, #tpu.memory_space<hbm>>
    %dma_start3A_405 = tpu.memref_slice %arg9[%dma_start3A_398] : memref<2x!tpu.dma_semaphore, #tpu.memory_space<semaphore_mem>> -> memref<1x!tpu.dma_semaphore, #tpu.memory_space<semaphore_mem>>
    %dma_start3A_406 = tpu.memref_squeeze %dma_start3A_405 : memref<1x!tpu.dma_semaphore, #tpu.memory_space<semaphore_mem>> -> memref<!tpu.dma_semaphore, #tpu.memory_space<semaphore_mem>>
    %dma_start3A_407 = arith.constant 0 : i32
    %dma_start3A_408 = arith.constant 0 : i32
    %dma_start3A_409 = tpu.memref_slice %arg6[%dma_start3A_397, %dma_start3A_407, %dma_start3A_408] : memref<2x64x64xf32, #tpu.memory_space<vmem>> -> memref<1x64x64xf32, #tpu.memory_space<vmem>>
    %dma_start3A_410 = tpu.memref_squeeze %dma_start3A_409 : memref<1x64x64xf32, #tpu.memory_space<vmem>> -> memref<64x64xf32, #tpu.memory_space<vmem>>
    %dma_start3A_411 = arith.constant 0 : i32
    %dma_start3A_412 = tpu.memref_slice %arg3[%add3A_396, %dma_start3A_411] : memref<16384x64xf32, #tpu.memory_space<hbm>> -> memref<64x64xf32, #tpu.memory_space<hbm>>
    tpu.enqueue_dma source(%dma_start3A_412 : memref<64x64xf32, #tpu.memory_space<hbm>>) target(%dma_start3A_410 : memref<64x64xf32, #tpu.memory_space<vmem>>) target_semaphore(%dma_start3A_406 : memref<!tpu.dma_semaphore, #tpu.memory_space<semaphore_mem>>)
    %dma_wait3A_413 = arith.constant 1 : i32
    %dma_wait3A_414 = arith.constant 1 : i32
    %dma_wait3A_415 = arith.constant 0 : i32
    %dma_wait3A_416 = arith.constant 0 : i32
    %dma_wait3A_417 = tpu.memref_slice %arg5[%dma_wait3A_413, %dma_wait3A_415, %dma_wait3A_416] : memref<2x64x64xf32, #tpu.memory_space<vmem>> -> memref<1x64x64xf32, #tpu.memory_space<vmem>>
    %dma_wait3A_418 = tpu.memref_squeeze %dma_wait3A_417 : memref<1x64x64xf32, #tpu.memory_space<vmem>> -> memref<64x64xf32, #tpu.memory_space<vmem>>
    %dma_wait3A_419 = arith.constant 0 : i32
    %dma_wait3A_420 = tpu.memref_slice %arg2[%add3A_310, %dma_wait3A_419] : memref<16384x64xf32, #tpu.memory_space<hbm>> -> memref<64x64xf32, #tpu.memory_space<hbm>>
    %dma_wait3A_421 = tpu.memref_slice %arg8[%dma_wait3A_414] : memref<2x!tpu.dma_semaphore, #tpu.memory_space<semaphore_mem>> -> memref<1x!tpu.dma_semaphore, #tpu.memory_space<semaphore_mem>>
    %dma_wait3A_422 = tpu.memref_squeeze %dma_wait3A_421 : memref<1x!tpu.dma_semaphore, #tpu.memory_space<semaphore_mem>> -> memref<!tpu.dma_semaphore, #tpu.memory_space<semaphore_mem>>
    %dma_wait3A_423 = arith.constant 0 : i32
    %dma_wait3A_424 = arith.constant 0 : i32
    %dma_wait3A_425 = tpu.memref_slice %arg5[%dma_wait3A_413, %dma_wait3A_423, %dma_wait3A_424] : memref<2x64x64xf32, #tpu.memory_space<vmem>> -> memref<1x64x64xf32, #tpu.memory_space<vmem>>
    %dma_wait3A_426 = tpu.memref_squeeze %dma_wait3A_425 : memref<1x64x64xf32, #tpu.memory_space<vmem>> -> memref<64x64xf32, #tpu.memory_space<vmem>>
    %dma_wait3A_427 = arith.constant 0 : i32
    %dma_wait3A_428 = tpu.memref_slice %arg2[%add3A_310, %dma_wait3A_427] : memref<16384x64xf32, #tpu.memory_space<hbm>> -> memref<64x64xf32, #tpu.memory_space<hbm>>
    tpu.wait_dma2 semaphore(%dma_wait3A_422 : memref<!tpu.dma_semaphore, #tpu.memory_space<semaphore_mem>>) src(%dma_wait3A_428 : memref<64x64xf32, #tpu.memory_space<hbm>>) dst(%dma_wait3A_426 : memref<64x64xf32, #tpu.memory_space<vmem>>)
    %dma_wait3A_429 = arith.constant 1 : i32
    %dma_wait3A_430 = arith.constant 1 : i32
    %dma_wait3A_431 = arith.constant 0 : i32
    %dma_wait3A_432 = arith.constant 0 : i32
    %dma_wait3A_433 = tpu.memref_slice %arg6[%dma_wait3A_429, %dma_wait3A_431, %dma_wait3A_432] : memref<2x64x64xf32, #tpu.memory_space<vmem>> -> memref<1x64x64xf32, #tpu.memory_space<vmem>>
    %dma_wait3A_434 = tpu.memref_squeeze %dma_wait3A_433 : memref<1x64x64xf32, #tpu.memory_space<vmem>> -> memref<64x64xf32, #tpu.memory_space<vmem>>
    %dma_wait3A_435 = arith.constant 0 : i32
    %dma_wait3A_436 = tpu.memref_slice %arg3[%add3A_328, %dma_wait3A_435] : memref<16384x64xf32, #tpu.memory_space<hbm>> -> memref<64x64xf32, #tpu.memory_space<hbm>>
    %dma_wait3A_437 = tpu.memref_slice %arg9[%dma_wait3A_430] : memref<2x!tpu.dma_semaphore, #tpu.memory_space<semaphore_mem>> -> memref<1x!tpu.dma_semaphore, #tpu.memory_space<semaphore_mem>>
    %dma_wait3A_438 = tpu.memref_squeeze %dma_wait3A_437 : memref<1x!tpu.dma_semaphore, #tpu.memory_space<semaphore_mem>> -> memref<!tpu.dma_semaphore, #tpu.memory_space<semaphore_mem>>
    %dma_wait3A_439 = arith.constant 0 : i32
    %dma_wait3A_440 = arith.constant 0 : i32
    %dma_wait3A_441 = tpu.memref_slice %arg6[%dma_wait3A_429, %dma_wait3A_439, %dma_wait3A_440] : memref<2x64x64xf32, #tpu.memory_space<vmem>> -> memref<1x64x64xf32, #tpu.memory_space<vmem>>
    %dma_wait3A_442 = tpu.memref_squeeze %dma_wait3A_441 : memref<1x64x64xf32, #tpu.memory_space<vmem>> -> memref<64x64xf32, #tpu.memory_space<vmem>>
    %dma_wait3A_443 = arith.constant 0 : i32
    %dma_wait3A_444 = tpu.memref_slice %arg3[%add3A_328, %dma_wait3A_443] : memref<16384x64xf32, #tpu.memory_space<hbm>> -> memref<64x64xf32, #tpu.memory_space<hbm>>
    tpu.wait_dma2 semaphore(%dma_wait3A_438 : memref<!tpu.dma_semaphore, #tpu.memory_space<semaphore_mem>>) src(%dma_wait3A_444 : memref<64x64xf32, #tpu.memory_space<hbm>>) dst(%dma_wait3A_442 : memref<64x64xf32, #tpu.memory_space<vmem>>)
    %add3A_445 = arith.constant 448 : i32
    %add3A_446 = arith.addi %mul3A_2, %add3A_445 : i32
    %dma_start3A_447 = arith.constant 1 : i32
    %dma_start3A_448 = arith.constant 1 : i32
    %dma_start3A_449 = arith.constant 0 : i32
    %dma_start3A_450 = arith.constant 0 : i32
    %dma_start3A_451 = tpu.memref_slice %arg5[%dma_start3A_447, %dma_start3A_449, %dma_start3A_450] : memref<2x64x64xf32, #tpu.memory_space<vmem>> -> memref<1x64x64xf32, #tpu.memory_space<vmem>>
    %dma_start3A_452 = tpu.memref_squeeze %dma_start3A_451 : memref<1x64x64xf32, #tpu.memory_space<vmem>> -> memref<64x64xf32, #tpu.memory_space<vmem>>
    %dma_start3A_453 = arith.constant 0 : i32
    %dma_start3A_454 = tpu.memref_slice %arg2[%add3A_446, %dma_start3A_453] : memref<16384x64xf32, #tpu.memory_space<hbm>> -> memref<64x64xf32, #tpu.memory_space<hbm>>
    %dma_start3A_455 = tpu.memref_slice %arg8[%dma_start3A_448] : memref<2x!tpu.dma_semaphore, #tpu.memory_space<semaphore_mem>> -> memref<1x!tpu.dma_semaphore, #tpu.memory_space<semaphore_mem>>
    %dma_start3A_456 = tpu.memref_squeeze %dma_start3A_455 : memref<1x!tpu.dma_semaphore, #tpu.memory_space<semaphore_mem>> -> memref<!tpu.dma_semaphore, #tpu.memory_space<semaphore_mem>>
    %dma_start3A_457 = arith.constant 0 : i32
    %dma_start3A_458 = arith.constant 0 : i32
    %dma_start3A_459 = tpu.memref_slice %arg5[%dma_start3A_447, %dma_start3A_457, %dma_start3A_458] : memref<2x64x64xf32, #tpu.memory_space<vmem>> -> memref<1x64x64xf32, #tpu.memory_space<vmem>>
    %dma_start3A_460 = tpu.memref_squeeze %dma_start3A_459 : memref<1x64x64xf32, #tpu.memory_space<vmem>> -> memref<64x64xf32, #tpu.memory_space<vmem>>
    %dma_start3A_461 = arith.constant 0 : i32
    %dma_start3A_462 = tpu.memref_slice %arg2[%add3A_446, %dma_start3A_461] : memref<16384x64xf32, #tpu.memory_space<hbm>> -> memref<64x64xf32, #tpu.memory_space<hbm>>
    tpu.enqueue_dma source(%dma_start3A_462 : memref<64x64xf32, #tpu.memory_space<hbm>>) target(%dma_start3A_460 : memref<64x64xf32, #tpu.memory_space<vmem>>) target_semaphore(%dma_start3A_456 : memref<!tpu.dma_semaphore, #tpu.memory_space<semaphore_mem>>)
    %add3A_463 = arith.constant 448 : i32
    %add3A_464 = arith.addi %mul3A_2, %add3A_463 : i32
    %dma_start3A_465 = arith.constant 1 : i32
    %dma_start3A_466 = arith.constant 1 : i32
    %dma_start3A_467 = arith.constant 0 : i32
    %dma_start3A_468 = arith.constant 0 : i32
    %dma_start3A_469 = tpu.memref_slice %arg6[%dma_start3A_465, %dma_start3A_467, %dma_start3A_468] : memref<2x64x64xf32, #tpu.memory_space<vmem>> -> memref<1x64x64xf32, #tpu.memory_space<vmem>>
    %dma_start3A_470 = tpu.memref_squeeze %dma_start3A_469 : memref<1x64x64xf32, #tpu.memory_space<vmem>> -> memref<64x64xf32, #tpu.memory_space<vmem>>
    %dma_start3A_471 = arith.constant 0 : i32
    %dma_start3A_472 = tpu.memref_slice %arg3[%add3A_464, %dma_start3A_471] : memref<16384x64xf32, #tpu.memory_space<hbm>> -> memref<64x64xf32, #tpu.memory_space<hbm>>
    %dma_start3A_473 = tpu.memref_slice %arg9[%dma_start3A_466] : memref<2x!tpu.dma_semaphore, #tpu.memory_space<semaphore_mem>> -> memref<1x!tpu.dma_semaphore, #tpu.memory_space<semaphore_mem>>
    %dma_start3A_474 = tpu.memref_squeeze %dma_start3A_473 : memref<1x!tpu.dma_semaphore, #tpu.memory_space<semaphore_mem>> -> memref<!tpu.dma_semaphore, #tpu.memory_space<semaphore_mem>>
    %dma_start3A_475 = arith.constant 0 : i32
    %dma_start3A_476 = arith.constant 0 : i32
    %dma_start3A_477 = tpu.memref_slice %arg6[%dma_start3A_465, %dma_start3A_475, %dma_start3A_476] : memref<2x64x64xf32, #tpu.memory_space<vmem>> -> memref<1x64x64xf32, #tpu.memory_space<vmem>>
    %dma_start3A_478 = tpu.memref_squeeze %dma_start3A_477 : memref<1x64x64xf32, #tpu.memory_space<vmem>> -> memref<64x64xf32, #tpu.memory_space<vmem>>
    %dma_start3A_479 = arith.constant 0 : i32
    %dma_start3A_480 = tpu.memref_slice %arg3[%add3A_464, %dma_start3A_479] : memref<16384x64xf32, #tpu.memory_space<hbm>> -> memref<64x64xf32, #tpu.memory_space<hbm>>
    tpu.enqueue_dma source(%dma_start3A_480 : memref<64x64xf32, #tpu.memory_space<hbm>>) target(%dma_start3A_478 : memref<64x64xf32, #tpu.memory_space<vmem>>) target_semaphore(%dma_start3A_474 : memref<!tpu.dma_semaphore, #tpu.memory_space<semaphore_mem>>)
    %dma_wait3A_481 = arith.constant 0 : i32
    %dma_wait3A_482 = arith.constant 0 : i32
    %dma_wait3A_483 = arith.constant 0 : i32
    %dma_wait3A_484 = arith.constant 0 : i32
    %dma_wait3A_485 = tpu.memref_slice %arg5[%dma_wait3A_481, %dma_wait3A_483, %dma_wait3A_484] : memref<2x64x64xf32, #tpu.memory_space<vmem>> -> memref<1x64x64xf32, #tpu.memory_space<vmem>>
    %dma_wait3A_486 = tpu.memref_squeeze %dma_wait3A_485 : memref<1x64x64xf32, #tpu.memory_space<vmem>> -> memref<64x64xf32, #tpu.memory_space<vmem>>
    %dma_wait3A_487 = arith.constant 0 : i32
    %dma_wait3A_488 = tpu.memref_slice %arg2[%add3A_378, %dma_wait3A_487] : memref<16384x64xf32, #tpu.memory_space<hbm>> -> memref<64x64xf32, #tpu.memory_space<hbm>>
    %dma_wait3A_489 = tpu.memref_slice %arg8[%dma_wait3A_482] : memref<2x!tpu.dma_semaphore, #tpu.memory_space<semaphore_mem>> -> memref<1x!tpu.dma_semaphore, #tpu.memory_space<semaphore_mem>>
    %dma_wait3A_490 = tpu.memref_squeeze %dma_wait3A_489 : memref<1x!tpu.dma_semaphore, #tpu.memory_space<semaphore_mem>> -> memref<!tpu.dma_semaphore, #tpu.memory_space<semaphore_mem>>
    %dma_wait3A_491 = arith.constant 0 : i32
    %dma_wait3A_492 = arith.constant 0 : i32
    %dma_wait3A_493 = tpu.memref_slice %arg5[%dma_wait3A_481, %dma_wait3A_491, %dma_wait3A_492] : memref<2x64x64xf32, #tpu.memory_space<vmem>> -> memref<1x64x64xf32, #tpu.memory_space<vmem>>
    %dma_wait3A_494 = tpu.memref_squeeze %dma_wait3A_493 : memref<1x64x64xf32, #tpu.memory_space<vmem>> -> memref<64x64xf32, #tpu.memory_space<vmem>>
    %dma_wait3A_495 = arith.constant 0 : i32
    %dma_wait3A_496 = tpu.memref_slice %arg2[%add3A_378, %dma_wait3A_495] : memref<16384x64xf32, #tpu.memory_space<hbm>> -> memref<64x64xf32, #tpu.memory_space<hbm>>
    tpu.wait_dma2 semaphore(%dma_wait3A_490 : memref<!tpu.dma_semaphore, #tpu.memory_space<semaphore_mem>>) src(%dma_wait3A_496 : memref<64x64xf32, #tpu.memory_space<hbm>>) dst(%dma_wait3A_494 : memref<64x64xf32, #tpu.memory_space<vmem>>)
    %dma_wait3A_497 = arith.constant 0 : i32
    %dma_wait3A_498 = arith.constant 0 : i32
    %dma_wait3A_499 = arith.constant 0 : i32
    %dma_wait3A_500 = arith.constant 0 : i32
    %dma_wait3A_501 = tpu.memref_slice %arg6[%dma_wait3A_497, %dma_wait3A_499, %dma_wait3A_500] : memref<2x64x64xf32, #tpu.memory_space<vmem>> -> memref<1x64x64xf32, #tpu.memory_space<vmem>>
    %dma_wait3A_502 = tpu.memref_squeeze %dma_wait3A_501 : memref<1x64x64xf32, #tpu.memory_space<vmem>> -> memref<64x64xf32, #tpu.memory_space<vmem>>
    %dma_wait3A_503 = arith.constant 0 : i32
    %dma_wait3A_504 = tpu.memref_slice %arg3[%add3A_396, %dma_wait3A_503] : memref<16384x64xf32, #tpu.memory_space<hbm>> -> memref<64x64xf32, #tpu.memory_space<hbm>>
    %dma_wait3A_505 = tpu.memref_slice %arg9[%dma_wait3A_498] : memref<2x!tpu.dma_semaphore, #tpu.memory_space<semaphore_mem>> -> memref<1x!tpu.dma_semaphore, #tpu.memory_space<semaphore_mem>>
    %dma_wait3A_506 = tpu.memref_squeeze %dma_wait3A_505 : memref<1x!tpu.dma_semaphore, #tpu.memory_space<semaphore_mem>> -> memref<!tpu.dma_semaphore, #tpu.memory_space<semaphore_mem>>
    %dma_wait3A_507 = arith.constant 0 : i32
    %dma_wait3A_508 = arith.constant 0 : i32
    %dma_wait3A_509 = tpu.memref_slice %arg6[%dma_wait3A_497, %dma_wait3A_507, %dma_wait3A_508] : memref<2x64x64xf32, #tpu.memory_space<vmem>> -> memref<1x64x64xf32, #tpu.memory_space<vmem>>
    %dma_wait3A_510 = tpu.memref_squeeze %dma_wait3A_509 : memref<1x64x64xf32, #tpu.memory_space<vmem>> -> memref<64x64xf32, #tpu.memory_space<vmem>>
    %dma_wait3A_511 = arith.constant 0 : i32
    %dma_wait3A_512 = tpu.memref_slice %arg3[%add3A_396, %dma_wait3A_511] : memref<16384x64xf32, #tpu.memory_space<hbm>> -> memref<64x64xf32, #tpu.memory_space<hbm>>
    tpu.wait_dma2 semaphore(%dma_wait3A_506 : memref<!tpu.dma_semaphore, #tpu.memory_space<semaphore_mem>>) src(%dma_wait3A_512 : memref<64x64xf32, #tpu.memory_space<hbm>>) dst(%dma_wait3A_510 : memref<64x64xf32, #tpu.memory_space<vmem>>)
    %dma_wait3A_513 = arith.constant 1 : i32
    %dma_wait3A_514 = arith.constant 1 : i32
    %dma_wait3A_515 = arith.constant 0 : i32
    %dma_wait3A_516 = arith.constant 0 : i32
    %dma_wait3A_517 = tpu.memref_slice %arg5[%dma_wait3A_513, %dma_wait3A_515, %dma_wait3A_516] : memref<2x64x64xf32, #tpu.memory_space<vmem>> -> memref<1x64x64xf32, #tpu.memory_space<vmem>>
    %dma_wait3A_518 = tpu.memref_squeeze %dma_wait3A_517 : memref<1x64x64xf32, #tpu.memory_space<vmem>> -> memref<64x64xf32, #tpu.memory_space<vmem>>
    %dma_wait3A_519 = arith.constant 0 : i32
    %dma_wait3A_520 = tpu.memref_slice %arg2[%add3A_446, %dma_wait3A_519] : memref<16384x64xf32, #tpu.memory_space<hbm>> -> memref<64x64xf32, #tpu.memory_space<hbm>>
    %dma_wait3A_521 = tpu.memref_slice %arg8[%dma_wait3A_514] : memref<2x!tpu.dma_semaphore, #tpu.memory_space<semaphore_mem>> -> memref<1x!tpu.dma_semaphore, #tpu.memory_space<semaphore_mem>>
    %dma_wait3A_522 = tpu.memref_squeeze %dma_wait3A_521 : memref<1x!tpu.dma_semaphore, #tpu.memory_space<semaphore_mem>> -> memref<!tpu.dma_semaphore, #tpu.memory_space<semaphore_mem>>
    %dma_wait3A_523 = arith.constant 0 : i32
    %dma_wait3A_524 = arith.constant 0 : i32
    %dma_wait3A_525 = tpu.memref_slice %arg5[%dma_wait3A_513, %dma_wait3A_523, %dma_wait3A_524] : memref<2x64x64xf32, #tpu.memory_space<vmem>> -> memref<1x64x64xf32, #tpu.memory_space<vmem>>
    %dma_wait3A_526 = tpu.memref_squeeze %dma_wait3A_525 : memref<1x64x64xf32, #tpu.memory_space<vmem>> -> memref<64x64xf32, #tpu.memory_space<vmem>>
    %dma_wait3A_527 = arith.constant 0 : i32
    %dma_wait3A_528 = tpu.memref_slice %arg2[%add3A_446, %dma_wait3A_527] : memref<16384x64xf32, #tpu.memory_space<hbm>> -> memref<64x64xf32, #tpu.memory_space<hbm>>
    tpu.wait_dma2 semaphore(%dma_wait3A_522 : memref<!tpu.dma_semaphore, #tpu.memory_space<semaphore_mem>>) src(%dma_wait3A_528 : memref<64x64xf32, #tpu.memory_space<hbm>>) dst(%dma_wait3A_526 : memref<64x64xf32, #tpu.memory_space<vmem>>)
    %dma_wait3A_529 = arith.constant 1 : i32
    %dma_wait3A_530 = arith.constant 1 : i32
    %dma_wait3A_531 = arith.constant 0 : i32
    %dma_wait3A_532 = arith.constant 0 : i32
    %dma_wait3A_533 = tpu.memref_slice %arg6[%dma_wait3A_529, %dma_wait3A_531, %dma_wait3A_532] : memref<2x64x64xf32, #tpu.memory_space<vmem>> -> memref<1x64x64xf32, #tpu.memory_space<vmem>>
    %dma_wait3A_534 = tpu.memref_squeeze %dma_wait3A_533 : memref<1x64x64xf32, #tpu.memory_space<vmem>> -> memref<64x64xf32, #tpu.memory_space<vmem>>
    %dma_wait3A_535 = arith.constant 0 : i32
    %dma_wait3A_536 = tpu.memref_slice %arg3[%add3A_464, %dma_wait3A_535] : memref<16384x64xf32, #tpu.memory_space<hbm>> -> memref<64x64xf32, #tpu.memory_space<hbm>>
    %dma_wait3A_537 = tpu.memref_slice %arg9[%dma_wait3A_530] : memref<2x!tpu.dma_semaphore, #tpu.memory_space<semaphore_mem>> -> memref<1x!tpu.dma_semaphore, #tpu.memory_space<semaphore_mem>>
    %dma_wait3A_538 = tpu.memref_squeeze %dma_wait3A_537 : memref<1x!tpu.dma_semaphore, #tpu.memory_space<semaphore_mem>> -> memref<!tpu.dma_semaphore, #tpu.memory_space<semaphore_mem>>
    %dma_wait3A_539 = arith.constant 0 : i32
    %dma_wait3A_540 = arith.constant 0 : i32
    %dma_wait3A_541 = tpu.memref_slice %arg6[%dma_wait3A_529, %dma_wait3A_539, %dma_wait3A_540] : memref<2x64x64xf32, #tpu.memory_space<vmem>> -> memref<1x64x64xf32, #tpu.memory_space<vmem>>
    %dma_wait3A_542 = tpu.memref_squeeze %dma_wait3A_541 : memref<1x64x64xf32, #tpu.memory_space<vmem>> -> memref<64x64xf32, #tpu.memory_space<vmem>>
    %dma_wait3A_543 = arith.constant 0 : i32
    %dma_wait3A_544 = tpu.memref_slice %arg3[%add3A_464, %dma_wait3A_543] : memref<16384x64xf32, #tpu.memory_space<hbm>> -> memref<64x64xf32, #tpu.memory_space<hbm>>
    tpu.wait_dma2 semaphore(%dma_wait3A_538 : memref<!tpu.dma_semaphore, #tpu.memory_space<semaphore_mem>>) src(%dma_wait3A_544 : memref<64x64xf32, #tpu.memory_space<hbm>>) dst(%dma_wait3A_542 : memref<64x64xf32, #tpu.memory_space<vmem>>)
    %eq3A = arith.constant 0 : i32
    %eq3A_545 = arith.cmpi eq, %add3A, %eq3A : i32
    %convert_element_type3A = arith.extui %eq3A_545 : i1 to i32
    %cond3A = arith.constant 0 : i32
    %cond3A_546 = arith.cmpi ne, %convert_element_type3A, %cond3A : i32
    scf.if %cond3A_546 {
      %get3A = arith.constant 0 : i32
      %get3A_547 = arith.constant 0 : i32
      %get3A_548 = arith.index_cast %get3A : i32 to index
      %get3A_549 = arith.index_cast %get3A_547 : i32 to index
      %get3A_550 = arith.constant 0 : index
      %get3A_551 = tpu.vector_load %arg5[%get3A_548, %get3A_549, %get3A_550] {strides = array<i32>} : memref<2x64x64xf32, #tpu.memory_space<vmem>>, vector<1x1x16xf32>,
      %get3A_552 = vector.shape_cast %get3A_551 : vector<1x1x16xf32> to vector<16xf32>
      %get3A_553 = arith.constant 0 : i32
      %get3A_554 = arith.constant 0 : i32
      %get3A_555 = arith.index_cast %get3A_553 : i32 to index
      %get3A_556 = arith.index_cast %get3A_554 : i32 to index
      %get3A_557 = arith.constant 0 : index
      %get3A_558 = tpu.vector_load %arg6[%get3A_555, %get3A_556, %get3A_557] {strides = array<i32>} : memref<2x64x64xf32, #tpu.memory_space<vmem>>, vector<1x1x16xf32>,
      %get3A_559 = vector.shape_cast %get3A_558 : vector<1x1x16xf32> to vector<16xf32>
      %add3A_560 = arith.addf %get3A_552, %get3A_559 : vector<16xf32>
      %swap3A = arith.constant 0 : index
      %swap3A_561 = tpu.vector_load %arg7[%swap3A] {strides = array<i32>} : memref<16xf32, #tpu.memory_space<vmem>>, vector<16xf32>,
      %swap3A_562 = vector.shape_cast %swap3A_561 : vector<16xf32> to vector<16xf32>
      %swap3A_563 = vector.shape_cast %add3A_560 : vector<16xf32> to vector<16xf32>
      tpu.vector_store %arg7[%swap3A], %swap3A_563 {strides = array<i32>} : memref<16xf32, #tpu.memory_space<vmem>>, vector<16xf32>,
      "tpu.region"() ({
        %run_scoped3A = tpu.sem_alloc : memref<!tpu.dma_semaphore, #tpu.memory_space<semaphore_mem>>
        tpu.enqueue_dma source(%arg7 : memref<16xf32, #tpu.memory_space<vmem>>) target(%arg4 : memref<16xf32, #tpu.memory_space<hbm>>) target_semaphore(%run_scoped3A : memref<!tpu.dma_semaphore, #tpu.memory_space<semaphore_mem>>)
        tpu.wait_dma2 semaphore(%run_scoped3A : memref<!tpu.dma_semaphore, #tpu.memory_space<semaphore_mem>>) src(%arg7 : memref<16xf32, #tpu.memory_space<vmem>>) dst(%arg4 : memref<16xf32, #tpu.memory_space<hbm>>)
        tpu.yield
      }) : () -> ()
    } else {
    }
    return
  }
}

</mosaic_0001>

<sc_bundles>
// kernel: kernel.3.cloned.1.call-start
scs
__scs_entry_jumppad:
0x0: {  	(pc) =	sbr.rel $0x88, $3  }
0x1: {  	(tag) =	ssettag $0x0;
	lr =	simm.s32 $0x1  }
0x2: {  	[smem:$0x3F9F] =	sst lr;
	_ =	strace $0xD0000000  }
0x3: {  	_ = 	snop  }
0x4: {  	_ = 	snop  }
0x5: {  	_ = 	snop  }
0x6: {  	_ = 	snop  }
0x7: {  	_ = 	snop  }
__scs_overlays_trampoline_lowered:
0x8: {  	[smem:$0x3FAE] =	sst s0  }
0x9: {  	[smem:$0x3FAF] =	sst s1  }
0xa: {  	[smem:$0x3FB0] =	sst s2  }
0xb: {  	[smem:$0x3FB1] =	sst s3  }
0xc: {  	[smem:$0x3FB2] =	sst s4  }
0xd: {  	[smem:$0x3FB3] =	sst s5  }
0xe: {  	[smem:$0x3FB4] =	sst s6  }
0xf: {  	[smem:$0x3FB5] =	sst s7  }
0x10: {  	[smem:$0x3FB6] =	sst s8  }
0x11: {  	[smem:$0x3FB7] =	sst s9;
	s0 =	simm.s32 @!p0 $0x0  }
0x12: {  	s1 =	sld [smem:$0x3F9D];
	s0 =	simm.s32 @p0 $0x1  }
0x13: {  	[smem:$0x3FB8] =	sst s0;
	s0 =	simm.s32 @!p1 $0x0  }
0x14: {  	s2 =	sld [smem:$0x3F9C];
	s0 =	simm.s32 @p1 $0x1  }
0x15: {  	[smem:$0x3FB9] =	sst s0;
	s0 =	simm.s32 @!p2 $0x0  }
0x16: {  	s3 =	sld [smem:$0x3FDB];
	s0 =	simm.s32 @p2 $0x1  }
0x17: {  	s4 =	simm.s32 $0x1BF5;
	[smem:$0x3FBB] =	sst s0  }
0x18: {  	s0 =	sld [smem:$0x3F9E];
	_ =	swait.ge [sflag:s4], $0x0  }
0x19: {  	s7 =	sld [smem:$0x3F9F]  }
0x1a: {  	s8 =	sadd.s32 $0xFFFFE003, lr  }
0x1b: {  	s9 =	sadd.s32 $0xFFFFFEF7, lr;
	s5 =	simm.s32 $0xFFFFFFFF;
	p2 =	slt.u32 s8, $0xFFFFF086  }
0x1c: {  	p1 =	slt.u32 s9, $0xF7A;
	s5 =	simm.s32 @!p2 $0x0  }
0x1d: {  	s5 =	simm.s32 @p1 $0x1;
	p0 =	seq.s32 s7, s2  }
0x1e: {  	s7 =	smul.u32 @!p0 $0xF7A, s2;
	p2 =	seq.s32 @!p0 s5, $0x0  }
0x1f: {  	s9 =	smul.u32 $0xF7A, s1;
	s8 =	simm.s32 @!p0 $0x1BF5;
	p2 =	por !p2, p0  }
0x20: {  	[sflag:s8] =	ssyncset.s32 @!p0 $0xFFFFF086;
	s6 =	sadd.s32 @!p0 s3, s7;
	s7 =	simm.s32 @!p0 $0x108  }
0x21: {  	s3 =	sadd.s32 s3, s9;
	s6 =	sadd.s32 @!p0 $0x88, s6;
	s7 =	simm.s32 @p2 $0x1082  }
0x22: {  	[simem:s7], [sflag:s8] =	dma.local @!p0 [hbm:s6], $0xF7A  }
0x23: {  	s9 =	sor.u32 $0xD0000000, s2;
	s6 =	simm.s32 $0x108;
	_ =	swait.ge @!p0 [sflag:s8], $0x0  }
0x24: {  	s3 =	sadd.s32 $0x88, s3;
	s6 =	simm.s32 @!p1 $0x1082;
	[sflag:s4] =	ssyncset.s32 $0xFFFFF086  }
0x25: {  	[simem:s6], [sflag:s4] =	dma.local [hbm:s3], $0xF7A  }
0x26: {  	[smem:$0x3F9F] =	sst s1;
	(tag) =	ssettag s2;
	_ =	strace s9  }
0x27: {  	s1 =	sld [smem:$0x3FAF]  }
0x28: {  	s2 =	sld [smem:$0x3FB0]  }
0x29: {  	s4 =	sld [smem:$0x3FB2]  }
0x2a: {  	p0 =	seq.s32 s5, $0x0;
	s5 =	sld [smem:$0x3FB3]  }
0x2b: {  	s6 =	sld [smem:$0x3FB4]  }
0x2c: {  	s7 =	sld [smem:$0x3FB5]  }
0x2d: {  	s3 =	simm.s32 $0x108;
	s8 =	sld [smem:$0x3FB6]  }
0x2e: {  	s3 =	simm.s32 @!p0 $0x1082;
	s9 =	sld [smem:$0x3FB7]  }
0x2f: {  	lr =	sadd.s32 s0, s3;
	s0 =	sld [smem:$0x3FAE]  }
0x30: {  	s3 =	sld [smem:$0x3FB1]  }
0x31: {  	[smem:$0x3FBA] =	sst s10  }
0x32: {  	s10 =	sld [smem:$0x3FB8];
	_ =	sdelay $0x3  }
0x33: {  	p0 =	seq.s32 s10, $0x1;
	s10 =	sld [smem:$0x3FBA];
	_ =	sdelay $0x3  }
0x34: {  	[smem:$0x3FBA] =	sst s10  }
0x35: {  	s10 =	sld [smem:$0x3FB9];
	_ =	sdelay $0x3  }
0x36: {  	p1 =	seq.s32 s10, $0x1;
	s10 =	sld [smem:$0x3FBA];
	_ =	sdelay $0x3  }
0x37: {  	[smem:$0x3FBA] =	sst s10  }
0x38: {  	s10 =	sld [smem:$0x3FBB]  }
0x39: {  	_ = 	snop;
	(pc) =	sbr.ind lr, $3  }
0x3a: {  	_ = 	snop  }
0x3b: {  	_ = 	snop  }
0x3c: {  	p2 =	seq.s32 s10, $0x1;
	s10 =	sld [smem:$0x3FBA]  }
0x3d: {  	_ =	shalt  }
0x3e: {  	_ =	shalt  }
0x3f: {  	_ =	shalt  }
0x40: {  	_ =	shalt  }
0x41: {  	_ =	shalt  }
0x42: {  	_ =	shalt  }
0x43: {  	_ =	shalt  }
0x44: {  	_ =	shalt  }
0x45: {  	_ =	shalt  }
0x46: {  	_ =	shalt  }
0x47: {  	_ =	shalt  }
0x48: {  	_ =	shalt  }
0x49: {  	_ =	shalt  }
0x4a: {  	_ =	shalt  }
0x4b: {  	_ =	shalt  }
0x4c: {  	_ =	shalt  }
0x4d: {  	_ =	shalt  }
0x4e: {  	_ =	shalt  }
0x4f: {  	_ =	shalt  }
0x50: {  	_ =	shalt  }
0x51: {  	_ =	shalt  }
0x52: {  	_ =	shalt  }
0x53: {  	_ =	shalt  }
0x54: {  	_ =	shalt  }
0x55: {  	_ =	shalt  }
0x56: {  	_ =	shalt  }
0x57: {  	_ =	shalt  }
0x58: {  	_ =	shalt  }
0x59: {  	_ =	shalt  }
0x5a: {  	_ =	shalt  }
0x5b: {  	_ =	shalt  }
0x5c: {  	_ =	shalt  }
0x5d: {  	_ =	shalt  }
0x5e: {  	_ =	shalt  }
0x5f: {  	_ =	shalt  }
0x60: {  	_ =	shalt  }
0x61: {  	_ =	shalt  }
0x62: {  	_ =	shalt  }
0x63: {  	_ =	shalt  }
0x64: {  	_ =	shalt  }
0x65: {  	_ =	shalt  }
0x66: {  	_ =	shalt  }
0x67: {  	_ =	shalt  }
0x68: {  	_ =	shalt  }
0x69: {  	_ =	shalt  }
0x6a: {  	_ =	shalt  }
0x6b: {  	_ =	shalt  }
0x6c: {  	_ =	shalt  }
0x6d: {  	_ =	shalt  }
0x6e: {  	_ =	shalt  }
0x6f: {  	_ =	shalt  }
0x70: {  	_ =	shalt  }
0x71: {  	_ =	shalt  }
0x72: {  	_ =	shalt  }
0x73: {  	_ =	shalt  }
0x74: {  	_ =	shalt  }
0x75: {  	_ =	shalt  }
0x76: {  	_ =	shalt  }
0x77: {  	_ =	shalt  }
0x78: {  	_ =	shalt  }
0x79: {  	_ =	shalt  }
0x7a: {  	_ =	shalt  }
0x7b: {  	_ =	shalt  }
0x7c: {  	_ =	shalt  }
0x7d: {  	_ =	shalt  }
0x7e: {  	_ =	shalt  }
0x7f: {  	_ =	shalt  }
0x80: {  	_ =	shalt  }
0x81: {  	_ =	shalt  }
0x82: {  	_ =	shalt  }
0x83: {  	_ =	shalt  }
0x84: {  	_ =	shalt  }
0x85: {  	_ =	shalt  }
0x86: {  	_ =	shalt  }
0x87: {  	_ =	shalt  }
.Lfunc_end0:
.L_simem_size_0:
called_computation_lowered:
.L_overlay_start_0:
0x88: {  	s2 =	sld [smem:$0x3FD9]  }
0x89: {  	s3 =	sld [smem:$0x3FFE];
	_ =	sdelay $0x1  }
0x8a: {  	s1 =	srdreg.scid  }
0x8b: {  	s0 =	sand.u32 $0x1, s1  }
0x8c: {  	s17 =	sshll.u32 s0, $0xA;
	s2 =	sadd.s32 s3, s2  }
0x8d: {  	s2 =	sadd.s32 s2, s17  }
0x8e: {  	[smem:$0x3FC6] =	sst s2  }
0x8f: {  	_ = 	snop  }
0x90: {  	s2 =	sld [smem:$0x3FD0];
	(tm) =	ssettm $0x1  }
0x91: {  	s18 =	sld [smem:$0x3FFB];
	_ =	sdelay $0x3  }
0x92: {  	_ =	strace s18  }
0x93: {  	s3 =	sld [smem:$0x3FFC];
	_ =	sdelay $0x3  }
0x94: {  	_ =	strace s3  }
0x95: {  	s3 =	sld [smem:$0x3FFD];
	_ =	sdelay $0x3  }
0x96: {  	_ =	strace s3  }
0x97: {  	_ =	strace $0x8FFFFFFF  }
0x98: {  	s19 =	sld [smem:$0x3FDB];
	_ =	sdelay $0x1  }
0x99: {  	s4 =	simm.s32 $_scs_section_size  }
0x9a: {  	s5 =	simm.s32 $_size__tile_overlayer_lowered;
	s6 =	simm.s32 $_tile_overlayer_lowered  }
0x9b: {  	s22 =	simm.s32 $0x1BFF;
	s21 =	sshll.u32 s6, $0x1;
	s3 =	sadd.s32 s4, s19  }
0x9c: {  	s7 =	simm.s32 $0x0;
	s20 =	sshll.u32 s5, $0x1;
	s5 =	sadd.s32 s21, s3  }
0x9d: {  	[timem:s7], [sflag:s22] =	dma.local [hbm:s5], s20  }
0x9e: {  	_ =	swait.ge [sflag:s22], s20  }
0x9f: {  	s4 =	ssub.s32 $0x0, s20;
	[sflag:s22] =	ssyncset.done $0x0  }
0xa0: {  	[sflag:s22] =	ssyncadd.s32 s4;
	_ =	sdelay $0x1  }
0xa1: {  	s23 =	simm.s32 $0x1B8B  }
0xa2: {  	_ =	swait.ge [sflag:s23], $0x1  }
0xa3: {  	[sflag:s23] =	ssyncset.done $0x0  }
0xa4: {  	s25 =	simm.s32 $0x1B8E;
	s24 =	sld [smem:$0x3FFE];
	[sflag:s23] =	ssyncadd.s32 $0xFFFFFFFF  }
0xa5: {  	s26 =	simm.s32 $execute0_lowered;
	[smem:$0x3FD2] =	sst s25  }
0xa6: {  	s5 =	sshll.u32 s26, $0x1;
	_ =	strace $0x80000046;
	[dreg:$0x1] =	wrdreg $0xFFFFFFFF  }
0xa7: {  	s28 =	simm.s32 $_size_execute0_lowered;
	s3 =	sadd.s32 s3, s5;
	[dreg:$0x0] =	wrdreg $0x0  }
0xa8: {  	s5 =	sshll.u32 s28, $0x1;
	[dreg:$0x2] =	wrdreg s3  }
0xa9: {  	[dreg:$0x3] =	wrdreg s5  }
0xaa: {  	[dreg:$0x4] =	wrdreg $0xC0  }
0xab: {  	_ =	task [dreg:s7], $0x5FFFF  }
0xac: {  	[dreg:$0x1] =	wrdreg $0xFFFFFFFF  }
0xad: {  	[dreg:$0x0] =	wrdreg $0x60  }
0xae: {  	[dreg:$0x2] =	wrdreg s24  }
0xaf: {  	[dreg:$0x3] =	wrdreg s2  }
0xb0: {  	[dreg:$0x4] =	wrdreg $0x9  }
0xb1: {  	_ =	task.clear_ibuf [dreg:s7], $0x5FFFF;
	_ =	strace $0x90000046  }
0xb2: {  	s29 =	simm.s32 $0x9;
	_ =	strace $0x80000048  }
0xb3: {  	_ =	swait.ge [sflag:s29], $0x1  }
0xb4: {  	[sflag:s29] =	ssyncadd.s32 $0xFFFFFFFF  }
0xb5: {  	_ =	strace $0x90000048  }
0xb6: {  	_ =	sfence  }
0xb7: {  	s30 =	sld [smem:$0x0];
	_ =	sdelay $0x2  }
0xb8: {  	s31 =	sshll.u32 s1, $0xD;
	s1 =	sshrl.u32 s1, $0x2  }
0xb9: {  	s3 =	sand.u32 $0x4000, s31;
	s1 =	sadd.s32 s1, s30  }
0xba: {  	s0 =	sor.u32 s3, s0;
	s1 =	sshll.u32 s1, $0x11  }
0xbb: {  	s0 =	sor.u32 s1, s0  }
0xbc: {  	s0 =	sadd.s32 $0x8F2B, s0  }
0xbd: {  	[sflag:s0] =	ssyncadd.remote.s32 $0x1  }
0xbe: {  	_ =	sfence.sel $0xFFFF  }
0xbf: {  	[dreg:$0x0] =	wrdreg $0xFFFFFFFF;
	(pc) =	sbr.abs _section_cstart, $3  }
0xc0: {  	[dreg:$0x1] =	wrdreg $0xFFFFFFFF  }
0xc1: {  	_ =	task.clear_ibuf [dreg:s7], $0x2FFFF;
	_ =	strace $0x9FFFFFFF  }
0xc2: {  	(tm) =	ssettm $0x7FFFFFFF  }
0xc3: {  	_ =	shalt  }
tec
execute0_lowered:
.L_overlay_start_1:
0x0: {  	(tag) =	ssettag $0x1  }
0x1: {  	s4 =	rddreg [dreg:$0x0]  }
0x2: {  	s1 =	srdreg.scid;
	s0 =	stileid.u32  }
0x3: {  	s2 =	rddreg [dreg:$0x1];
	s28 =	sand.u32 $0x1, s1;
	s5 =	sshll.u32 s0, $0x1  }
0x4: {  	s3 =	simm.s32 $0x0;
	s1 =	rddreg [dreg:$0x2];
	s29 =	sor.u32 s28, s5  }
0x5: {  	[smem:$0x7FF] =	sst s3;
	s25 =	sadd.s32 $0x600, s4;
	s30 =	sshll.u32 s29, $0xD  }
0x6: {  	s26 =	sadd.s32 $0x40600, s4;
	_ =	strace $0x80000047;
	s4 =	sadd.s32 s25, s30  }
0x7: {  	[tilespmem:s3], [sflag:$0x1] =	stream.linear.gather [hbm4b:s4+s3], $0x2000, $0x38;
	[tilespmem:$0x8080] =	vst v63  }
0x8: {  	s6 =	simm.s32 $0x4000;
	s5 =	sadd.s32 s26, s30;
	s9 =	sor.u32 $0x400, s30  }
0x9: {  	[tilespmem:s6], [sflag:$0x3] =	stream.linear.gather [hbm4b:s5+s3], $0x2000, $0x38;
	[tilespmem:$0x8080] =	vst v63  }
0xa: {  	s8 =	simm.s32 $0x2000;
	s7 =	sadd.s32 s25, s9  }
0xb: {  	[tilespmem:s8], [sflag:$0x2] =	stream.linear.gather [hbm4b:s7+s3], $0x2000, $0x38;
	[tilespmem:$0x8080] =	vst v63  }
0xc: {  	s10 =	simm.s32 $0x6000;
	s11 =	simm.s32 $0x1;
	s9 =	sadd.s32 s26, s9  }
0xd: {  	[tilespmem:s10], [sflag:$0x4] =	stream.linear.gather [hbm4b:s9+s3], $0x2000, $0x38;
	[tilespmem:$0x8080] =	vst v63  }
0xe: {  	_ =	swait.ge [sflag:s11], $0x2000  }
0xf: {  	[sflag:s11] =	ssyncset.done $0x0  }
0x10: {  	s12 =	simm.s32 $0x3;
	[sflag:s11] =	ssyncadd.s32 $0xFFFFE000  }
0x11: {  	_ =	swait.ge [sflag:s12], $0x2000  }
0x12: {  	s14 =	sor.u32 $0x800, s30;
	[sflag:s12] =	ssyncset.done $0x0  }
0x13: {  	s13 =	sadd.s32 s25, s14;
	[sflag:s12] =	ssyncadd.s32 $0xFFFFE000  }
0x14: {  	[tilespmem:s3], [sflag:$0x1] =	stream.linear.gather [hbm4b:s13+s3], $0x2000, $0x38;
	[tilespmem:$0x8080] =	vst v63  }
0x15: {  	s15 =	simm.s32 $0x2;
	s14 =	sadd.s32 s26, s14  }
0x16: {  	[tilespmem:s6], [sflag:$0x3] =	stream.linear.gather [hbm4b:s14+s3], $0x2000, $0x38;
	[tilespmem:$0x8080] =	vst v63  }
0x17: {  	_ =	swait.ge [sflag:s15], $0x2000  }
0x18: {  	[sflag:s15] =	ssyncset.done $0x0  }
0x19: {  	s16 =	simm.s32 $0x4;
	[sflag:s15] =	ssyncadd.s32 $0xFFFFE000  }
0x1a: {  	_ =	swait.ge [sflag:s16], $0x2000  }
0x1b: {  	s18 =	sor.u32 $0xC00, s30;
	[sflag:s16] =	ssyncset.done $0x0  }
0x1c: {  	s17 =	sadd.s32 s25, s18;
	[sflag:s16] =	ssyncadd.s32 $0xFFFFE000  }
0x1d: {  	[tilespmem:s8], [sflag:$0x2] =	stream.linear.gather [hbm4b:s17+s3], $0x2000, $0x38;
	[tilespmem:$0x8080] =	vst v63  }
0x1e: {  	s18 =	sadd.s32 s26, s18  }
0x1f: {  	[tilespmem:s10], [sflag:$0x4] =	stream.linear.gather [hbm4b:s18+s3], $0x2000, $0x38;
	[tilespmem:$0x8080] =	vst v63  }
0x20: {  	_ =	swait.ge [sflag:s11], $0x2000  }
0x21: {  	[sflag:s11] =	ssyncset.done $0x0  }
0x22: {  	[sflag:s11] =	ssyncadd.s32 $0xFFFFE000  }
0x23: {  	_ =	swait.ge [sflag:s12], $0x2000  }
0x24: {  	s20 =	sor.u32 $0x1000, s30;
	[sflag:s12] =	ssyncset.done $0x0  }
0x25: {  	s19 =	sadd.s32 s25, s20;
	[sflag:s12] =	ssyncadd.s32 $0xFFFFE000  }
0x26: {  	[tilespmem:s3], [sflag:$0x1] =	stream.linear.gather [hbm4b:s19+s3], $0x2000, $0x38;
	[tilespmem:$0x8080] =	vst v63  }
0x27: {  	s20 =	sadd.s32 s26, s20  }
0x28: {  	[tilespmem:s6], [sflag:$0x3] =	stream.linear.gather [hbm4b:s20+s3], $0x2000, $0x38;
	[tilespmem:$0x8080] =	vst v63  }
0x29: {  	_ =	swait.ge [sflag:s15], $0x2000  }
0x2a: {  	[sflag:s15] =	ssyncset.done $0x0  }
0x2b: {  	[sflag:s15] =	ssyncadd.s32 $0xFFFFE000  }
0x2c: {  	_ =	swait.ge [sflag:s16], $0x2000  }
0x2d: {  	s22 =	sor.u32 $0x1400, s30;
	[sflag:s16] =	ssyncset.done $0x0  }
0x2e: {  	s21 =	sadd.s32 s25, s22;
	[sflag:s16] =	ssyncadd.s32 $0xFFFFE000  }
0x2f: {  	[tilespmem:s8], [sflag:$0x2] =	stream.linear.gather [hbm4b:s21+s3], $0x2000, $0x38;
	[tilespmem:$0x8080] =	vst v63  }
0x30: {  	s22 =	sadd.s32 s26, s22  }
0x31: {  	[tilespmem:s10], [sflag:$0x4] =	stream.linear.gather [hbm4b:s22+s3], $0x2000, $0x38;
	[tilespmem:$0x8080] =	vst v63  }
0x32: {  	_ =	swait.ge [sflag:s11], $0x2000  }
0x33: {  	[sflag:s11] =	ssyncset.done $0x0  }
0x34: {  	[sflag:s11] =	ssyncadd.s32 $0xFFFFE000  }
0x35: {  	_ =	swait.ge [sflag:s12], $0x2000  }
0x36: {  	s24 =	sor.u32 $0x1800, s30;
	[sflag:s12] =	ssyncset.done $0x0  }
0x37: {  	s23 =	sadd.s32 s25, s24;
	[sflag:s12] =	ssyncadd.s32 $0xFFFFE000  }
0x38: {  	[tilespmem:s3], [sflag:$0x1] =	stream.linear.gather [hbm4b:s23+s3], $0x2000, $0x38;
	[tilespmem:$0x8080] =	vst v63  }
0x39: {  	s24 =	sadd.s32 s26, s24  }
0x3a: {  	[tilespmem:s6], [sflag:$0x3] =	stream.linear.gather [hbm4b:s24+s3], $0x2000, $0x38;
	[tilespmem:$0x8080] =	vst v63  }
0x3b: {  	_ =	swait.ge [sflag:s15], $0x2000  }
0x3c: {  	[sflag:s15] =	ssyncset.done $0x0  }
0x3d: {  	[sflag:s15] =	ssyncadd.s32 $0xFFFFE000  }
0x3e: {  	_ =	swait.ge [sflag:s16], $0x2000  }
0x3f: {  	s30 =	sor.u32 $0x1C00, s30;
	[sflag:s16] =	ssyncset.done $0x0  }
0x40: {  	s25 =	sadd.s32 s25, s30;
	[sflag:s16] =	ssyncadd.s32 $0xFFFFE000  }
0x41: {  	[tilespmem:s8], [sflag:$0x2] =	stream.linear.gather [hbm4b:s25+s3], $0x2000, $0x38;
	[tilespmem:$0x8080] =	vst v63  }
0x42: {  	s26 =	sadd.s32 s26, s30  }
0x43: {  	[tilespmem:s10], [sflag:$0x4] =	stream.linear.gather [hbm4b:s26+s3], $0x2000, $0x38;
	[tilespmem:$0x8080] =	vst v63  }
0x44: {  	_ =	swait.ge [sflag:s11], $0x2000  }
0x45: {  	[sflag:s11] =	ssyncset.done $0x0  }
0x46: {  	[sflag:s11] =	ssyncadd.s32 $0xFFFFE000  }
0x47: {  	_ =	swait.ge [sflag:s12], $0x2000  }
0x48: {  	[sflag:s12] =	ssyncset.done $0x0  }
0x49: {  	[sflag:s12] =	ssyncadd.s32 $0xFFFFE000  }
0x4a: {  	_ =	swait.ge [sflag:s15], $0x2000  }
0x4b: {  	[sflag:s15] =	ssyncset.done $0x0  }
0x4c: {  	[sflag:s15] =	ssyncadd.s32 $0xFFFFE000  }
0x4d: {  	_ =	swait.ge [sflag:s16], $0x2000  }
0x4e: {  	[sflag:s16] =	ssyncset.done $0x0  }
0x4f: {  	p0 =	sne.s32 s29, $0x0;
	[sflag:s16] =	ssyncadd.s32 $0xFFFFE000  }
0x50: {  	s28 =	ssub.s32 $0x2, s28;
	v0 =	vld @!p0 [tilespmem:$0x0]  }
0x51: {  	s29 =	sshrl.u32 s28, $0x1;
	v1 =	vld @!p0 [tilespmem:$0x4000]  }
0x52: {  	s28 =	ssub.s32 s28, s29  }
0x53: {  	s28 =	smax.u32 s28, $0x1  }
0x54: {  	s28 =	sadd.s32 $0xFFFFFFFF, s28  }
0x55: {  	p1 =	sne.s32 s28, $0x0  }
.Ltmp0:
0x56: {  	v0 =	vadd.f32 @!p0 v1, v0;
	(pc) =	sbr.rel @!p1 .LBB2_2-.Ltmp0, $4  }
0x57: {  	_ = 	snop  }
0x58: {  	s31 =	simm.s32 @!p0 $0x8000;
	s29 =	simm.s32 @!p0 $0x5;
	s30 =	simm.s32 @!p0 $0x0;
	[tilespmem:$0x8000] =	vst @!p0 v0  }
0x59: {  	[hbm4b:s2+s30] =	stream.linear.scatter @!p0 [tilespmem:s31], [sflag:$0x5], $0x80, $0x38;
	[tilespmem:$0x8080] =	vst v63  }
0x5a: {  	_ =	swait.ge @!p0 [sflag:s29], $0x80  }
.LBB2_1:
0x5b: {  	s28 =	sadd.s32 $0xFFFFFFFF, s28;
	[sflag:s29] =	ssyncset.done @!p0 $0x0  }
0x5c: {  	p1 =	sne.s32 s28, $0x0;
	[sflag:s29] =	ssyncadd.s32 @!p0 $0xFFFFFF80  }
0x5d: {  	[tilespmem:s3], [sflag:$0x1] =	stream.linear.gather [hbm4b:s4+s3], $0x2000, $0x38;
	[tilespmem:$0x8080] =	vst v63  }
0x5e: {  	_ = 	snop  }
0x5f: {  	[tilespmem:s6], [sflag:$0x3] =	stream.linear.gather [hbm4b:s5+s3], $0x2000, $0x38;
	[tilespmem:$0x8080] =	vst v63  }
0x60: {  	_ = 	snop  }
0x61: {  	[tilespmem:s8], [sflag:$0x2] =	stream.linear.gather [hbm4b:s7+s3], $0x2000, $0x38;
	[tilespmem:$0x8080] =	vst v63  }
0x62: {  	_ = 	snop  }
0x63: {  	[tilespmem:s10], [sflag:$0x4] =	stream.linear.gather [hbm4b:s9+s3], $0x2000, $0x38;
	[tilespmem:$0x8080] =	vst v63  }
0x64: {  	_ =	swait.ge [sflag:s11], $0x2000  }
0x65: {  	[sflag:s11] =	ssyncset.done $0x0  }
0x66: {  	[sflag:s11] =	ssyncadd.s32 $0xFFFFE000  }
0x67: {  	_ =	swait.ge [sflag:s12], $0x2000  }
0x68: {  	[sflag:s12] =	ssyncset.done $0x0  }
0x69: {  	[sflag:s12] =	ssyncadd.s32 $0xFFFFE000  }
0x6a: {  	[tilespmem:s3], [sflag:$0x1] =	stream.linear.gather [hbm4b:s13+s3], $0x2000, $0x38;
	[tilespmem:$0x8080] =	vst v63  }
0x6b: {  	_ = 	snop  }
0x6c: {  	[tilespmem:s6], [sflag:$0x3] =	stream.linear.gather [hbm4b:s14+s3], $0x2000, $0x38;
	[tilespmem:$0x8080] =	vst v63  }
0x6d: {  	_ =	swait.ge [sflag:s15], $0x2000  }
0x6e: {  	[sflag:s15] =	ssyncset.done $0x0  }
0x6f: {  	[sflag:s15] =	ssyncadd.s32 $0xFFFFE000  }
0x70: {  	_ =	swait.ge [sflag:s16], $0x2000  }
0x71: {  	[sflag:s16] =	ssyncset.done $0x0  }
0x72: {  	[sflag:s16] =	ssyncadd.s32 $0xFFFFE000  }
0x73: {  	[tilespmem:s8], [sflag:$0x2] =	stream.linear.gather [hbm4b:s17+s3], $0x2000, $0x38;
	[tilespmem:$0x8080] =	vst v63  }
0x74: {  	_ = 	snop  }
0x75: {  	[tilespmem:s10], [sflag:$0x4] =	stream.linear.gather [hbm4b:s18+s3], $0x2000, $0x38;
	[tilespmem:$0x8080] =	vst v63  }
0x76: {  	_ =	swait.ge [sflag:s11], $0x2000  }
0x77: {  	[sflag:s11] =	ssyncset.done $0x0  }
0x78: {  	[sflag:s11] =	ssyncadd.s32 $0xFFFFE000  }
0x79: {  	_ =	swait.ge [sflag:s12], $0x2000  }
0x7a: {  	[sflag:s12] =	ssyncset.done $0x0  }
0x7b: {  	[sflag:s12] =	ssyncadd.s32 $0xFFFFE000  }
0x7c: {  	[tilespmem:s3], [sflag:$0x1] =	stream.linear.gather [hbm4b:s19+s3], $0x2000, $0x38;
	[tilespmem:$0x8080] =	vst v63  }
0x7d: {  	_ = 	snop  }
0x7e: {  	[tilespmem:s6], [sflag:$0x3] =	stream.linear.gather [hbm4b:s20+s3], $0x2000, $0x38;
	[tilespmem:$0x8080] =	vst v63  }
0x7f: {  	_ =	swait.ge [sflag:s15], $0x2000  }
0x80: {  	[sflag:s15] =	ssyncset.done $0x0  }
0x81: {  	[sflag:s15] =	ssyncadd.s32 $0xFFFFE000  }
0x82: {  	_ =	swait.ge [sflag:s16], $0x2000  }
0x83: {  	[sflag:s16] =	ssyncset.done $0x0  }
0x84: {  	[sflag:s16] =	ssyncadd.s32 $0xFFFFE000  }
0x85: {  	[tilespmem:s8], [sflag:$0x2] =	stream.linear.gather [hbm4b:s21+s3], $0x2000, $0x38;
	[tilespmem:$0x8080] =	vst v63  }
0x86: {  	_ = 	snop  }
0x87: {  	[tilespmem:s10], [sflag:$0x4] =	stream.linear.gather [hbm4b:s22+s3], $0x2000, $0x38;
	[tilespmem:$0x8080] =	vst v63  }
0x88: {  	_ =	swait.ge [sflag:s11], $0x2000  }
0x89: {  	[sflag:s11] =	ssyncset.done $0x0  }
0x8a: {  	[sflag:s11] =	ssyncadd.s32 $0xFFFFE000  }
0x8b: {  	_ =	swait.ge [sflag:s12], $0x2000  }
0x8c: {  	[sflag:s12] =	ssyncset.done $0x0  }
0x8d: {  	[sflag:s12] =	ssyncadd.s32 $0xFFFFE000  }
0x8e: {  	[tilespmem:s3], [sflag:$0x1] =	stream.linear.gather [hbm4b:s23+s3], $0x2000, $0x38;
	[tilespmem:$0x8080] =	vst v63  }
0x8f: {  	_ = 	snop  }
0x90: {  	[tilespmem:s6], [sflag:$0x3] =	stream.linear.gather [hbm4b:s24+s3], $0x2000, $0x38;
	[tilespmem:$0x8080] =	vst v63  }
0x91: {  	_ =	swait.ge [sflag:s15], $0x2000  }
0x92: {  	[sflag:s15] =	ssyncset.done $0x0  }
0x93: {  	[sflag:s15] =	ssyncadd.s32 $0xFFFFE000  }
0x94: {  	_ =	swait.ge [sflag:s16], $0x2000  }
0x95: {  	[sflag:s16] =	ssyncset.done $0x0  }
0x96: {  	[sflag:s16] =	ssyncadd.s32 $0xFFFFE000  }
0x97: {  	[tilespmem:s8], [sflag:$0x2] =	stream.linear.gather [hbm4b:s25+s3], $0x2000, $0x38;
	[tilespmem:$0x8080] =	vst v63  }
0x98: {  	_ = 	snop  }
0x99: {  	[tilespmem:s10], [sflag:$0x4] =	stream.linear.gather [hbm4b:s26+s3], $0x2000, $0x38;
	[tilespmem:$0x8080] =	vst v63  }
0x9a: {  	_ =	swait.ge [sflag:s11], $0x2000  }
0x9b: {  	[sflag:s11] =	ssyncset.done $0x0  }
0x9c: {  	[sflag:s11] =	ssyncadd.s32 $0xFFFFE000  }
0x9d: {  	_ =	swait.ge [sflag:s12], $0x2000  }
0x9e: {  	[sflag:s12] =	ssyncset.done $0x0  }
0x9f: {  	[sflag:s12] =	ssyncadd.s32 $0xFFFFE000  }
0xa0: {  	_ =	swait.ge [sflag:s15], $0x2000  }
0xa1: {  	[sflag:s15] =	ssyncset.done $0x0  }
0xa2: {  	[sflag:s15] =	ssyncadd.s32 $0xFFFFE000  }
0xa3: {  	_ =	swait.ge [sflag:s16], $0x2000  }
0xa4: {  	[sflag:s16] =	ssyncset.done $0x0  }
0xa5: {  	[sflag:s16] =	ssyncadd.s32 $0xFFFFE000  }
0xa6: {  	v0 =	vld @!p0 [tilespmem:$0x0]  }
0xa7: {  	v1 =	vld @!p0 [tilespmem:$0x4000];
	_ =	sdelay $0x4  }
.Ltmp1:
0xa8: {  	v0 =	vadd.f32 @!p0 v1, v0;
	(pc) =	sbr.rel @p1 .LBB2_1-.Ltmp1, $4  }
0xa9: {  	_ = 	snop  }
0xaa: {  	[tilespmem:$0x8000] =	vst @!p0 v0  }
0xab: {  	[hbm4b:s2+s30] =	stream.linear.scatter @!p0 [tilespmem:s31], [sflag:$0x5], $0x80, $0x38;
	[tilespmem:$0x8080] =	vst v63  }
0xac: {  	_ =	swait.ge @!p0 [sflag:s29], $0x80  }
.LBB2_2:
0xad: {  	[sflag:s29] =	ssyncset.done @!p0 $0x0  }
0xae: {  	[sflag:s29] =	ssyncadd.s32 @!p0 $0xFFFFFF80  }
0xaf: {  	_ =	sfence.sel $0x180000  }
0xb0: {  	[bflag:$0x0] =	sbarrier.arrive $0xFFFF  }
0xb1: {  	p0 =	sne.s32 s0, $0x0;
	_ =	strace $0x90000047  }
0xb2: {  	s0 =	sadd.s32 @!p0 $0x100000, s1;
	[bflag:$0x2] =	sbarrier.arrive $0xFFFF  }
0xb3: {  	[sflag:s0] =	ssyncadd.tile.s32 @!p0 $0x1;
	_ =	shalt  }
.Lfunc_end2:
_tile_overlayer_lowered:
.L_overlay_start_2:
0xb4: {  	(tag) =	ssettag $0x2  }
0xb5: {  	s0 =	rddreg [dreg:$0x0];
	s2 =	stileid.u32  }
0xb6: {  	s1 =	rddreg [dreg:$0x1];
	p0 =	sne.s32 s2, $0x0  }
0xb7: {  	s3 =	rddreg [dreg:$0x2];
	[bflag:$0x3] =	sbarrier.arrive $0xFFFF;
	s2 =	simm.s32 @!p0 $0x1C05  }
0xb8: {  	[timem:s3], [sflag:s2] =	dma.local @!p0 [hbm:s0], s1  }
0xb9: {  	s0 =	simm.s32 @!p0 $0x5  }
0xba: {  	_ =	swait.ge @!p0 [sflag:s0], s1  }
0xbb: {  	s1 =	ssub.s32 @!p0 $0x0, s1;
	[sflag:s0] =	ssyncset.done @!p0 $0x0  }
0xbc: {  	[sflag:s0] =	ssyncadd.s32 @!p0 s1  }
0xbd: {  	[bflag:$0x3] =	sbarrier.arrive $0xFFFF  }
0xbe: {  	_ =	shalt  }

</sc_bundles>
